<compile_context>
chip_gen: v7x
topology: tpu7x:2x2x1
jax: 0.10.2.dev20260603
libtpu: 0.0.44.dev20260713+nightly
codegen_flags: <defaults>
</compile_context>

<pallas_src>
import functools

import jax
import jax.numpy as jnp
from jax import lax
from jax.experimental import pallas as pl
from jax.experimental.pallas import tpu as pltpu
from jax.experimental.pallas import tpu_sc as plsc

_BS, _SEQ, _FEAT, _OUT = 8, 2048, 1024, 1024

_BTC = _BS - 1
_WIN = 256
_NWIN = _SEQ // _WIN
_SPAN = 272

_NC, _NS, _L = 2, 16, 16
_NWK = _NC * _NS
_FPT = _FEAT // _NWK
_HROWS = _SEQ // 2


def _wpool_kernel(idx_ref, score_ref, feat_ref, out_ref):
    w = pl.program_id(1)

    @pl.when(w == 0)
    def _():
        out_ref[...] = jnp.zeros_like(out_ref)

    v0 = idx_ref[0, 0, 0, 0]
    j0 = jnp.minimum((v0 // 8) * 8, _OUT - _SPAN)
    j0 = pl.multiple_of(j0, 8)
    rows = jax.lax.broadcasted_iota(jnp.int32, (_SPAN, 1), 0) + j0
    a = jnp.where(idx_ref[0, 0] == rows, score_ref[0, 0], 0.0)
    part = jax.lax.dot(a, feat_ref[0], preferred_element_type=jnp.float32)
    out_ref[0, pl.ds(j0, _SPAN), :] += part


def _sc_pool(feat_hbm, score_hbm, idx_hbm, zero_hbm, out_hbm,
             buf0, buf1, idxb, scb, acc0, acc1, sem):
    c = lax.axis_index("c")
    s = lax.axis_index("s")
    w = s * _NC + c
    f0 = w * _FPT

    col = lax.iota(jnp.int32, _L)
    bufs = (buf0, buf1)

    def _feat_copy(h, buf):
        return pltpu.make_async_copy(
            feat_hbm.at[0, pl.ds(h * _HROWS, _HROWS), pl.ds(f0, _FPT)],
            buf,
            sem,
        )

    _feat_copy(0, buf0).start()
    pltpu.sync_copy(zero_hbm, acc0)
    pltpu.sync_copy(zero_hbm, acc1)
    pltpu.sync_copy(idx_hbm.at[0], idxb)
    pltpu.sync_copy(score_hbm.at[0], scb)
    for h in range(2):
        if h + 1 < 2:
            _feat_copy(h + 1, bufs[(h + 1) % 2]).start()
        buf = bufs[h % 2]
        _feat_copy(h, buf).wait()

        def _grp(g, gi, h=h, buf=buf):
            iv = idxb[pl.ds(h * _HROWS + g * _L, _L)]
            sv = scb[pl.ds(h * _HROWS + g * _L, _L)]
            for r in range(_L):
                row = g * _L + r
                rowids = jnp.full((_L,), iv[r])
                bc = jnp.full((_L,), sv[r])
                v0 = buf[row, pl.ds(0, _L)] * bc
                plsc.addupdate_scatter(acc0, [rowids, col], v0)
                v1 = buf[row, pl.ds(_L, _L)] * bc
                plsc.addupdate_scatter(acc1, [rowids, col], v1)
            return gi

        lax.fori_loop(0, _HROWS // _L, _grp, 0)

    pltpu.sync_copy(acc0, out_hbm.at[0, :, pl.ds(f0, _L)])
    pltpu.sync_copy(acc1, out_hbm.at[0, :, pl.ds(f0 + _L, _L)])


_sc_call = functools.partial(
    pl.kernel,
    out_type=jax.ShapeDtypeStruct((1, _OUT, _FEAT), jnp.float32),
    mesh=plsc.VectorSubcoreMesh(core_axis_name="c", subcore_axis_name="s"),
    compiler_params=pltpu.CompilerParams(
        use_tc_tiling_on_sc=False, needs_layout_passes=False
    ),
    scratch_types=[
        pltpu.VMEM((_HROWS, _FPT), jnp.float32),
        pltpu.VMEM((_HROWS, _FPT), jnp.float32),
        pltpu.VMEM((_SEQ,), jnp.int32),
        pltpu.VMEM((_SEQ,), jnp.float32),
        pltpu.VMEM((_OUT, _L), jnp.float32),
        pltpu.VMEM((_OUT, _L), jnp.float32),
        pltpu.SemaphoreType.DMA,
    ],
)(_sc_pool)


def kernel(score, feature, out_len):
    s2 = score[:, :, 0]

    cumsum = jnp.cumsum(score, axis=1)
    cumsum = jnp.where(jnp.mod(cumsum, 1.0) < 0.01, cumsum - 0.01, cumsum)
    int_cumsum = jnp.floor(cumsum).astype(jnp.int32)
    int_cumsum = jnp.clip(int_cumsum, 0, out_len - 1)
    idx = int_cumsum[:, :, 0]

    zeros = jnp.zeros((_OUT, _L), jnp.float32)
    out_sc = _sc_call(
        feature[_BTC:], s2[_BTC:], idx[_BTC:], zeros
    )

    idx4 = idx[:_BTC].reshape(_BTC, _NWIN, 1, _WIN)
    s4 = s2[:_BTC].reshape(_BTC, _NWIN, 1, _WIN)
    out_tc = pl.pallas_call(
        _wpool_kernel,
        grid=(_BTC, _NWIN),
        in_specs=[
            pl.BlockSpec((1, 1, 1, _WIN), lambda b, w: (b, w, 0, 0)),
            pl.BlockSpec((1, 1, 1, _WIN), lambda b, w: (b, w, 0, 0)),
            pl.BlockSpec((1, _WIN, _FEAT), lambda b, w: (b, w, 0)),
        ],
        out_specs=pl.BlockSpec((1, _OUT, _FEAT), lambda b, w: (b, 0, 0)),
        out_shape=jax.ShapeDtypeStruct((_BTC, _OUT, _FEAT), jnp.float32),
    )(idx4, s4, feature[:_BTC])

    return jnp.concatenate([out_tc, out_sc], axis=0)

# --- scband reference (transcript-rebuilt; emitter-appended) ---
"""Pipeline reference for scband-base-19851338842756 (READ-ONLY COPY).

The authoritative reference and input builder live on the scoring server;
editing this copy changes nothing except your own understanding.
"""

import jax, jax.numpy as jnp
import numpy as np


def setup_inputs(seed: int = 0) -> dict:
    key = jax.random.key(seed)
    k1, k2 = jax.random.split(key)
    score = jax.random.uniform(k1, (8, 2048, 1), dtype=jnp.float32)
    feature = jax.random.normal(k2, (8, 2048, 1024), dtype=jnp.float32)
    return {"score": score, "feature": feature, "out_len": 1024}


def reference(score, feature, out_len):
    # Faithful translation of Base.calculate_scatter_avgpool (the scatter-memory op
    # of this module; Base.forward itself is abstract).
    bs, in_seq_len, feat_dim = feature.shape
    out_len_static = 1024
    cumsum = jnp.cumsum(score, axis=1)  # [bs, seq, 1]
    # cumsum[cumsum % 1 < 0.01] -= 0.01
    cumsum = jnp.where(jnp.mod(cumsum, 1.0) < 0.01, cumsum - 0.01, cumsum)
    int_cumsum = jnp.floor(cumsum).astype(jnp.int32)  # [bs, seq, 1]
    int_cumsum = jnp.clip(int_cumsum, 0, out_len - 1)
    idx = int_cumsum[:, :, 0]  # [bs, seq], broadcast over feature dim like torch_scatter
    vals = (feature * score).transpose(0, 2, 1)  # [bs, feat, seq]

    def scat(vals_b, idx_b):
        out_b = jnp.zeros((feat_dim, out_len_static), dtype=vals_b.dtype)
        return out_b.at[:, idx_b].add(vals_b)

    out = jax.vmap(scat)(vals, idx)  # [bs, feat, out_len]
    return out.transpose(0, 2, 1)  # [bs, out_len, feat]

if __name__ == "__main__":
    import jax
    _d = setup_inputs()
    print(jax.jit(kernel)(*tuple(_d.values())))

</pallas_src>

<mosaic_0001>
#map = affine_map<(d0, d1) -> (0, 0, 0)>
#map1 = affine_map<(d0, d1) -> (0, 0)>
module attributes {stable_mosaic.version = 14 : i64} {
  func.func @_sc_pool(%arg0: i32, %arg1: i32, %arg2: memref<1x2048x1024xf32, #tpu.memory_space<hbm>>, %arg3: memref<1x2048xf32, #tpu.memory_space<hbm>>, %arg4: memref<1x2048xi32, #tpu.memory_space<hbm>>, %arg5: memref<1024x16xf32, #tpu.memory_space<hbm>>, %arg6: memref<1x1024x1024xf32, #tpu.memory_space<hbm>>, %arg7: memref<1024x32xf32, #tpu.memory_space<vmem>>, %arg8: memref<1024x32xf32, #tpu.memory_space<vmem>>, %arg9: memref<2048xi32, #tpu.memory_space<vmem>>, %arg10: memref<2048xf32, #tpu.memory_space<vmem>>, %arg11: memref<1024x16xf32, #tpu.memory_space<vmem>>, %arg12: memref<1024x16xf32, #tpu.memory_space<vmem>>, %arg13: memref<!tpu.dma_semaphore, #tpu.memory_space<semaphore_mem>>) attributes {dimension_semantics = [#tpu.dimension_semantics<core_parallel>, #tpu.dimension_semantics<subcore_parallel>], iteration_bounds = array<i64: 2, 16>, scalar_prefetch = 0 : i64, scratch_operands = 7 : i64, tpu.core_type = #tpu.core_type<sc_vector_subcore>, window_params = [{transform_indices = #map}, {transform_indices = #map1}, {transform_indices = #map1}, {transform_indices = #map1}, {transform_indices = #map}]} {
    %mul3A = arith.constant 2 : i32
    %mul3A_0 = arith.muli %arg1, %mul3A : i32
    %add3A = arith.addi %mul3A_0, %arg0 : i32
    %mul3A_1 = arith.constant 32 : i32
    %mul3A_2 = arith.muli %add3A, %mul3A_1 : i32
    %iota3A = tpu.iota {dimensions = array<i32: 0>} : vector<16xi32>
    %dma_start3A = arith.constant 0 : i32
    %dma_start3A_3 = arith.constant 0 : i32
    %dma_start3A_4 = tpu.memref_slice %arg2[%dma_start3A, %dma_start3A_3, %mul3A_2] : memref<1x2048x1024xf32, #tpu.memory_space<hbm>> -> memref<1x1024x32xf32, #tpu.memory_space<hbm>>
    %dma_start3A_5 = tpu.memref_squeeze %dma_start3A_4 : memref<1x1024x32xf32, #tpu.memory_space<hbm>> -> memref<1024x32xf32, #tpu.memory_space<hbm>>
    %dma_start3A_6 = arith.constant 0 : i32
    %dma_start3A_7 = tpu.memref_slice %arg2[%dma_start3A, %dma_start3A_6, %mul3A_2] : memref<1x2048x1024xf32, #tpu.memory_space<hbm>> -> memref<1x1024x32xf32, #tpu.memory_space<hbm>>
    %dma_start3A_8 = tpu.memref_squeeze %dma_start3A_7 : memref<1x1024x32xf32, #tpu.memory_space<hbm>> -> memref<1024x32xf32, #tpu.memory_space<hbm>>
    tpu.enqueue_dma source(%dma_start3A_8 : memref<1024x32xf32, #tpu.memory_space<hbm>>) target(%arg7 : memref<1024x32xf32, #tpu.memory_space<vmem>>) target_semaphore(%arg13 : memref<!tpu.dma_semaphore, #tpu.memory_space<semaphore_mem>>)
    "tpu.region"() ({
      %run_scoped3A_45 = tpu.sem_alloc : memref<!tpu.dma_semaphore, #tpu.memory_space<semaphore_mem>>
      tpu.enqueue_dma source(%arg5 : memref<1024x16xf32, #tpu.memory_space<hbm>>) target(%arg11 : memref<1024x16xf32, #tpu.memory_space<vmem>>) target_semaphore(%run_scoped3A_45 : memref<!tpu.dma_semaphore, #tpu.memory_space<semaphore_mem>>)
      tpu.wait_dma2 semaphore(%run_scoped3A_45 : memref<!tpu.dma_semaphore, #tpu.memory_space<semaphore_mem>>) src(%arg5 : memref<1024x16xf32, #tpu.memory_space<hbm>>) dst(%arg11 : memref<1024x16xf32, #tpu.memory_space<vmem>>)
      tpu.yield
    }) : () -> ()
    "tpu.region"() ({
      %run_scoped3A_45 = tpu.sem_alloc : memref<!tpu.dma_semaphore, #tpu.memory_space<semaphore_mem>>
      tpu.enqueue_dma source(%arg5 : memref<1024x16xf32, #tpu.memory_space<hbm>>) target(%arg12 : memref<1024x16xf32, #tpu.memory_space<vmem>>) target_semaphore(%run_scoped3A_45 : memref<!tpu.dma_semaphore, #tpu.memory_space<semaphore_mem>>)
      tpu.wait_dma2 semaphore(%run_scoped3A_45 : memref<!tpu.dma_semaphore, #tpu.memory_space<semaphore_mem>>) src(%arg5 : memref<1024x16xf32, #tpu.memory_space<hbm>>) dst(%arg12 : memref<1024x16xf32, #tpu.memory_space<vmem>>)
      tpu.yield
    }) : () -> ()
    %run_scoped3A = arith.constant 0 : i32
    "tpu.region"() ({
      %run_scoped3A_45 = tpu.sem_alloc : memref<!tpu.dma_semaphore, #tpu.memory_space<semaphore_mem>>
      %dma_start3A_46 = arith.constant 0 : i32
      %dma_start3A_47 = tpu.memref_slice %arg4[%run_scoped3A, %dma_start3A_46] : memref<1x2048xi32, #tpu.memory_space<hbm>> -> memref<1x2048xi32, #tpu.memory_space<hbm>>
      %dma_start3A_48 = tpu.memref_squeeze %dma_start3A_47 : memref<1x2048xi32, #tpu.memory_space<hbm>> -> memref<2048xi32, #tpu.memory_space<hbm>>
      %dma_start3A_49 = arith.constant 0 : i32
      %dma_start3A_50 = tpu.memref_slice %arg4[%run_scoped3A, %dma_start3A_49] : memref<1x2048xi32, #tpu.memory_space<hbm>> -> memref<1x2048xi32, #tpu.memory_space<hbm>>
      %dma_start3A_51 = tpu.memref_squeeze %dma_start3A_50 : memref<1x2048xi32, #tpu.memory_space<hbm>> -> memref<2048xi32, #tpu.memory_space<hbm>>
      tpu.enqueue_dma source(%dma_start3A_51 : memref<2048xi32, #tpu.memory_space<hbm>>) target(%arg9 : memref<2048xi32, #tpu.memory_space<vmem>>) target_semaphore(%run_scoped3A_45 : memref<!tpu.dma_semaphore, #tpu.memory_space<semaphore_mem>>)
      %dma_wait3A_52 = arith.constant 0 : i32
      %dma_wait3A_53 = tpu.memref_slice %arg4[%run_scoped3A, %dma_wait3A_52] : memref<1x2048xi32, #tpu.memory_space<hbm>> -> memref<1x2048xi32, #tpu.memory_space<hbm>>
      %dma_wait3A_54 = tpu.memref_squeeze %dma_wait3A_53 : memref<1x2048xi32, #tpu.memory_space<hbm>> -> memref<2048xi32, #tpu.memory_space<hbm>>
      %dma_wait3A_55 = arith.constant 0 : i32
      %dma_wait3A_56 = tpu.memref_slice %arg4[%run_scoped3A, %dma_wait3A_55] : memref<1x2048xi32, #tpu.memory_space<hbm>> -> memref<1x2048xi32, #tpu.memory_space<hbm>>
      %dma_wait3A_57 = tpu.memref_squeeze %dma_wait3A_56 : memref<1x2048xi32, #tpu.memory_space<hbm>> -> memref<2048xi32, #tpu.memory_space<hbm>>
      tpu.wait_dma2 semaphore(%run_scoped3A_45 : memref<!tpu.dma_semaphore, #tpu.memory_space<semaphore_mem>>) src(%dma_wait3A_57 : memref<2048xi32, #tpu.memory_space<hbm>>) dst(%arg9 : memref<2048xi32, #tpu.memory_space<vmem>>)
      tpu.yield
    }) : () -> ()
    %run_scoped3A_9 = arith.constant 0 : i32
    "tpu.region"() ({
      %run_scoped3A_45 = tpu.sem_alloc : memref<!tpu.dma_semaphore, #tpu.memory_space<semaphore_mem>>
      %dma_start3A_46 = arith.constant 0 : i32
      %dma_start3A_47 = tpu.memref_slice %arg3[%run_scoped3A_9, %dma_start3A_46] : memref<1x2048xf32, #tpu.memory_space<hbm>> -> memref<1x2048xf32, #tpu.memory_space<hbm>>
      %dma_start3A_48 = tpu.memref_squeeze %dma_start3A_47 : memref<1x2048xf32, #tpu.memory_space<hbm>> -> memref<2048xf32, #tpu.memory_space<hbm>>
      %dma_start3A_49 = arith.constant 0 : i32
      %dma_start3A_50 = tpu.memref_slice %arg3[%run_scoped3A_9, %dma_start3A_49] : memref<1x2048xf32, #tpu.memory_space<hbm>> -> memref<1x2048xf32, #tpu.memory_space<hbm>>
      %dma_start3A_51 = tpu.memref_squeeze %dma_start3A_50 : memref<1x2048xf32, #tpu.memory_space<hbm>> -> memref<2048xf32, #tpu.memory_space<hbm>>
      tpu.enqueue_dma source(%dma_start3A_51 : memref<2048xf32, #tpu.memory_space<hbm>>) target(%arg10 : memref<2048xf32, #tpu.memory_space<vmem>>) target_semaphore(%run_scoped3A_45 : memref<!tpu.dma_semaphore, #tpu.memory_space<semaphore_mem>>)
      %dma_wait3A_52 = arith.constant 0 : i32
      %dma_wait3A_53 = tpu.memref_slice %arg3[%run_scoped3A_9, %dma_wait3A_52] : memref<1x2048xf32, #tpu.memory_space<hbm>> -> memref<1x2048xf32, #tpu.memory_space<hbm>>
      %dma_wait3A_54 = tpu.memref_squeeze %dma_wait3A_53 : memref<1x2048xf32, #tpu.memory_space<hbm>> -> memref<2048xf32, #tpu.memory_space<hbm>>
      %dma_wait3A_55 = arith.constant 0 : i32
      %dma_wait3A_56 = tpu.memref_slice %arg3[%run_scoped3A_9, %dma_wait3A_55] : memref<1x2048xf32, #tpu.memory_space<hbm>> -> memref<1x2048xf32, #tpu.memory_space<hbm>>
      %dma_wait3A_57 = tpu.memref_squeeze %dma_wait3A_56 : memref<1x2048xf32, #tpu.memory_space<hbm>> -> memref<2048xf32, #tpu.memory_space<hbm>>
      tpu.wait_dma2 semaphore(%run_scoped3A_45 : memref<!tpu.dma_semaphore, #tpu.memory_space<semaphore_mem>>) src(%dma_wait3A_57 : memref<2048xf32, #tpu.memory_space<hbm>>) dst(%arg10 : memref<2048xf32, #tpu.memory_space<vmem>>)
      tpu.yield
    }) : () -> ()
    %dma_start3A_10 = arith.constant 0 : i32
    %dma_start3A_11 = arith.constant 1024 : i32
    %dma_start3A_12 = tpu.memref_slice %arg2[%dma_start3A_10, %dma_start3A_11, %mul3A_2] : memref<1x2048x1024xf32, #tpu.memory_space<hbm>> -> memref<1x1024x32xf32, #tpu.memory_space<hbm>>
    %dma_start3A_13 = tpu.memref_squeeze %dma_start3A_12 : memref<1x1024x32xf32, #tpu.memory_space<hbm>> -> memref<1024x32xf32, #tpu.memory_space<hbm>>
    %dma_start3A_14 = arith.constant 1024 : i32
    %dma_start3A_15 = tpu.memref_slice %arg2[%dma_start3A_10, %dma_start3A_14, %mul3A_2] : memref<1x2048x1024xf32, #tpu.memory_space<hbm>> -> memref<1x1024x32xf32, #tpu.memory_space<hbm>>
    %dma_start3A_16 = tpu.memref_squeeze %dma_start3A_15 : memref<1x1024x32xf32, #tpu.memory_space<hbm>> -> memref<1024x32xf32, #tpu.memory_space<hbm>>
    tpu.enqueue_dma source(%dma_start3A_16 : memref<1024x32xf32, #tpu.memory_space<hbm>>) target(%arg8 : memref<1024x32xf32, #tpu.memory_space<vmem>>) target_semaphore(%arg13 : memref<!tpu.dma_semaphore, #tpu.memory_space<semaphore_mem>>)
    %dma_wait3A = arith.constant 0 : i32
    %dma_wait3A_17 = arith.constant 0 : i32
    %dma_wait3A_18 = tpu.memref_slice %arg2[%dma_wait3A, %dma_wait3A_17, %mul3A_2] : memref<1x2048x1024xf32, #tpu.memory_space<hbm>> -> memref<1x1024x32xf32, #tpu.memory_space<hbm>>
    %dma_wait3A_19 = tpu.memref_squeeze %dma_wait3A_18 : memref<1x1024x32xf32, #tpu.memory_space<hbm>> -> memref<1024x32xf32, #tpu.memory_space<hbm>>
    %dma_wait3A_20 = arith.constant 0 : i32
    %dma_wait3A_21 = tpu.memref_slice %arg2[%dma_wait3A, %dma_wait3A_20, %mul3A_2] : memref<1x2048x1024xf32, #tpu.memory_space<hbm>> -> memref<1x1024x32xf32, #tpu.memory_space<hbm>>
    %dma_wait3A_22 = tpu.memref_squeeze %dma_wait3A_21 : memref<1x1024x32xf32, #tpu.memory_space<hbm>> -> memref<1024x32xf32, #tpu.memory_space<hbm>>
    tpu.wait_dma2 semaphore(%arg13 : memref<!tpu.dma_semaphore, #tpu.memory_space<semaphore_mem>>) src(%dma_wait3A_22 : memref<1024x32xf32, #tpu.memory_space<hbm>>) dst(%arg7 : memref<1024x32xf32, #tpu.memory_space<vmem>>)
    %scan3A = arith.constant 0 : i32
    %scan3A_23 = arith.constant 0 : i32
    %scan3A_24 = arith.constant 64 : i32
    %scan3A_25 = arith.addi %scan3A_23, %scan3A_24 : i32
    %scan3A_26 = arith.constant 1 : i32
    scf.for %scan3A_45 = %scan3A_23 to %scan3A_25 step %scan3A_26  : i32 {
      %mul3A_46 = arith.constant 16 : i32
      %mul3A_47 = arith.muli %scan3A_45, %mul3A_46 : i32
      %add3A_48 = arith.constant 0 : i32
      %add3A_49 = arith.addi %add3A_48, %mul3A_47 : i32
      %get3A = arith.index_cast %add3A_49 : i32 to index
      %get3A_50 = tpu.vector_load %arg9[%get3A] {strides = array<i32>} : memref<2048xi32, #tpu.memory_space<vmem>>, vector<16xi32>,
      %mul3A_51 = arith.constant 16 : i32
      %mul3A_52 = arith.muli %scan3A_45, %mul3A_51 : i32
      %add3A_53 = arith.constant 0 : i32
      %add3A_54 = arith.addi %add3A_53, %mul3A_52 : i32
      %get3A_55 = arith.index_cast %add3A_54 : i32 to index
      %get3A_56 = tpu.vector_load %arg10[%get3A_55] {strides = array<i32>} : memref<2048xf32, #tpu.memory_space<vmem>>, vector<16xf32>,
      %mul3A_57 = arith.constant 16 : i32
      %mul3A_58 = arith.muli %scan3A_45, %mul3A_57 : i32
      %add3A_59 = arith.constant 0 : i32
      %add3A_60 = arith.addi %mul3A_58, %add3A_59 : i32
      %slice3A = vector.extract_strided_slice %get3A_50 {offsets = [0], sizes = [1], strides = [1]} : vector<16xi32> to vector<1xi32>
      %squeeze3A = vector.extract %slice3A[0] : i32 from vector<1xi32>
      %broadcast_in_dim3A = vector.broadcast %squeeze3A : i32 to vector<16xi32>
      %slice3A_61 = vector.extract_strided_slice %get3A_56 {offsets = [0], sizes = [1], strides = [1]} : vector<16xf32> to vector<1xf32>
      %squeeze3A_62 = vector.extract %slice3A_61[0] : f32 from vector<1xf32>
      %broadcast_in_dim3A_63 = vector.broadcast %squeeze3A_62 : f32 to vector<16xf32>
      %get3A_64 = arith.index_cast %add3A_60 : i32 to index
      %get3A_65 = arith.constant 0 : index
      %get3A_66 = tpu.vector_load %arg7[%get3A_64, %get3A_65] {strides = array<i32>} : memref<1024x32xf32, #tpu.memory_space<vmem>>, vector<16xf32>,
      %mul3A_67 = arith.mulf %get3A_66, %broadcast_in_dim3A_63 : vector<16xf32>
      tpu.vector_store_idx %arg11[%broadcast_in_dim3A, %iota3A], %mul3A_67 {add = true} : memref<1024x16xf32, #tpu.memory_space<vmem>>[vector<16xi32>, vector<16xi32>], vector<16xf32>,
      %get3A_68 = arith.index_cast %add3A_60 : i32 to index
      %get3A_69 = arith.constant 16 : index
      %get3A_70 = tpu.vector_load %arg7[%get3A_68, %get3A_69] {strides = array<i32>} : memref<1024x32xf32, #tpu.memory_space<vmem>>, vector<16xf32>,
      %mul3A_71 = arith.mulf %get3A_70, %broadcast_in_dim3A_63 : vector<16xf32>
      tpu.vector_store_idx %arg12[%broadcast_in_dim3A, %iota3A], %mul3A_71 {add = true} : memref<1024x16xf32, #tpu.memory_space<vmem>>[vector<16xi32>, vector<16xi32>], vector<16xf32>,
      %mul3A_72 = arith.constant 16 : i32
      %mul3A_73 = arith.muli %scan3A_45, %mul3A_72 : i32
      %add3A_74 = arith.constant 1 : i32
      %add3A_75 = arith.addi %mul3A_73, %add3A_74 : i32
      %slice3A_76 = vector.extract_strided_slice %get3A_50 {offsets = [1], sizes = [1], strides = [1]} : vector<16xi32> to vector<1xi32>
      %squeeze3A_77 = vector.extract %slice3A_76[0] : i32 from vector<1xi32>
      %broadcast_in_dim3A_78 = vector.broadcast %squeeze3A_77 : i32 to vector<16xi32>
      %slice3A_79 = vector.extract_strided_slice %get3A_56 {offsets = [1], sizes = [1], strides = [1]} : vector<16xf32> to vector<1xf32>
      %squeeze3A_80 = vector.extract %slice3A_79[0] : f32 from vector<1xf32>
      %broadcast_in_dim3A_81 = vector.broadcast %squeeze3A_80 : f32 to vector<16xf32>
      %get3A_82 = arith.index_cast %add3A_75 : i32 to index
      %get3A_83 = arith.constant 0 : index
      %get3A_84 = tpu.vector_load %arg7[%get3A_82, %get3A_83] {strides = array<i32>} : memref<1024x32xf32, #tpu.memory_space<vmem>>, vector<16xf32>,
      %mul3A_85 = arith.mulf %get3A_84, %broadcast_in_dim3A_81 : vector<16xf32>
      tpu.vector_store_idx %arg11[%broadcast_in_dim3A_78, %iota3A], %mul3A_85 {add = true} : memref<1024x16xf32, #tpu.memory_space<vmem>>[vector<16xi32>, vector<16xi32>], vector<16xf32>,
      %get3A_86 = arith.index_cast %add3A_75 : i32 to index
      %get3A_87 = arith.constant 16 : index
      %get3A_88 = tpu.vector_load %arg7[%get3A_86, %get3A_87] {strides = array<i32>} : memref<1024x32xf32, #tpu.memory_space<vmem>>, vector<16xf32>,
      %mul3A_89 = arith.mulf %get3A_88, %broadcast_in_dim3A_81 : vector<16xf32>
      tpu.vector_store_idx %arg12[%broadcast_in_dim3A_78, %iota3A], %mul3A_89 {add = true} : memref<1024x16xf32, #tpu.memory_space<vmem>>[vector<16xi32>, vector<16xi32>], vector<16xf32>,
      %mul3A_90 = arith.constant 16 : i32
      %mul3A_91 = arith.muli %scan3A_45, %mul3A_90 : i32
      %add3A_92 = arith.constant 2 : i32
      %add3A_93 = arith.addi %mul3A_91, %add3A_92 : i32
      %slice3A_94 = vector.extract_strided_slice %get3A_50 {offsets = [2], sizes = [1], strides = [1]} : vector<16xi32> to vector<1xi32>
      %squeeze3A_95 = vector.extract %slice3A_94[0] : i32 from vector<1xi32>
      %broadcast_in_dim3A_96 = vector.broadcast %squeeze3A_95 : i32 to vector<16xi32>
      %slice3A_97 = vector.extract_strided_slice %get3A_56 {offsets = [2], sizes = [1], strides = [1]} : vector<16xf32> to vector<1xf32>
      %squeeze3A_98 = vector.extract %slice3A_97[0] : f32 from vector<1xf32>
      %broadcast_in_dim3A_99 = vector.broadcast %squeeze3A_98 : f32 to vector<16xf32>
      %get3A_100 = arith.index_cast %add3A_93 : i32 to index
      %get3A_101 = arith.constant 0 : index
      %get3A_102 = tpu.vector_load %arg7[%get3A_100, %get3A_101] {strides = array<i32>} : memref<1024x32xf32, #tpu.memory_space<vmem>>, vector<16xf32>,
      %mul3A_103 = arith.mulf %get3A_102, %broadcast_in_dim3A_99 : vector<16xf32>
      tpu.vector_store_idx %arg11[%broadcast_in_dim3A_96, %iota3A], %mul3A_103 {add = true} : memref<1024x16xf32, #tpu.memory_space<vmem>>[vector<16xi32>, vector<16xi32>], vector<16xf32>,
      %get3A_104 = arith.index_cast %add3A_93 : i32 to index
      %get3A_105 = arith.constant 16 : index
      %get3A_106 = tpu.vector_load %arg7[%get3A_104, %get3A_105] {strides = array<i32>} : memref<1024x32xf32, #tpu.memory_space<vmem>>, vector<16xf32>,
      %mul3A_107 = arith.mulf %get3A_106, %broadcast_in_dim3A_99 : vector<16xf32>
      tpu.vector_store_idx %arg12[%broadcast_in_dim3A_96, %iota3A], %mul3A_107 {add = true} : memref<1024x16xf32, #tpu.memory_space<vmem>>[vector<16xi32>, vector<16xi32>], vector<16xf32>,
      %mul3A_108 = arith.constant 16 : i32
      %mul3A_109 = arith.muli %scan3A_45, %mul3A_108 : i32
      %add3A_110 = arith.constant 3 : i32
      %add3A_111 = arith.addi %mul3A_109, %add3A_110 : i32
      %slice3A_112 = vector.extract_strided_slice %get3A_50 {offsets = [3], sizes = [1], strides = [1]} : vector<16xi32> to vector<1xi32>
      %squeeze3A_113 = vector.extract %slice3A_112[0] : i32 from vector<1xi32>
      %broadcast_in_dim3A_114 = vector.broadcast %squeeze3A_113 : i32 to vector<16xi32>
      %slice3A_115 = vector.extract_strided_slice %get3A_56 {offsets = [3], sizes = [1], strides = [1]} : vector<16xf32> to vector<1xf32>
      %squeeze3A_116 = vector.extract %slice3A_115[0] : f32 from vector<1xf32>
      %broadcast_in_dim3A_117 = vector.broadcast %squeeze3A_116 : f32 to vector<16xf32>
      %get3A_118 = arith.index_cast %add3A_111 : i32 to index
      %get3A_119 = arith.constant 0 : index
      %get3A_120 = tpu.vector_load %arg7[%get3A_118, %get3A_119] {strides = array<i32>} : memref<1024x32xf32, #tpu.memory_space<vmem>>, vector<16xf32>,
      %mul3A_121 = arith.mulf %get3A_120, %broadcast_in_dim3A_117 : vector<16xf32>
      tpu.vector_store_idx %arg11[%broadcast_in_dim3A_114, %iota3A], %mul3A_121 {add = true} : memref<1024x16xf32, #tpu.memory_space<vmem>>[vector<16xi32>, vector<16xi32>], vector<16xf32>,
      %get3A_122 = arith.index_cast %add3A_111 : i32 to index
      %get3A_123 = arith.constant 16 : index
      %get3A_124 = tpu.vector_load %arg7[%get3A_122, %get3A_123] {strides = array<i32>} : memref<1024x32xf32, #tpu.memory_space<vmem>>, vector<16xf32>,
      %mul3A_125 = arith.mulf %get3A_124, %broadcast_in_dim3A_117 : vector<16xf32>
      tpu.vector_store_idx %arg12[%broadcast_in_dim3A_114, %iota3A], %mul3A_125 {add = true} : memref<1024x16xf32, #tpu.memory_space<vmem>>[vector<16xi32>, vector<16xi32>], vector<16xf32>,
      %mul3A_126 = arith.constant 16 : i32
      %mul3A_127 = arith.muli %scan3A_45, %mul3A_126 : i32
      %add3A_128 = arith.constant 4 : i32
      %add3A_129 = arith.addi %mul3A_127, %add3A_128 : i32
      %slice3A_130 = vector.extract_strided_slice %get3A_50 {offsets = [4], sizes = [1], strides = [1]} : vector<16xi32> to vector<1xi32>
      %squeeze3A_131 = vector.extract %slice3A_130[0] : i32 from vector<1xi32>
      %broadcast_in_dim3A_132 = vector.broadcast %squeeze3A_131 : i32 to vector<16xi32>
      %slice3A_133 = vector.extract_strided_slice %get3A_56 {offsets = [4], sizes = [1], strides = [1]} : vector<16xf32> to vector<1xf32>
      %squeeze3A_134 = vector.extract %slice3A_133[0] : f32 from vector<1xf32>
      %broadcast_in_dim3A_135 = vector.broadcast %squeeze3A_134 : f32 to vector<16xf32>
      %get3A_136 = arith.index_cast %add3A_129 : i32 to index
      %get3A_137 = arith.constant 0 : index
      %get3A_138 = tpu.vector_load %arg7[%get3A_136, %get3A_137] {strides = array<i32>} : memref<1024x32xf32, #tpu.memory_space<vmem>>, vector<16xf32>,
      %mul3A_139 = arith.mulf %get3A_138, %broadcast_in_dim3A_135 : vector<16xf32>
      tpu.vector_store_idx %arg11[%broadcast_in_dim3A_132, %iota3A], %mul3A_139 {add = true} : memref<1024x16xf32, #tpu.memory_space<vmem>>[vector<16xi32>, vector<16xi32>], vector<16xf32>,
      %get3A_140 = arith.index_cast %add3A_129 : i32 to index
      %get3A_141 = arith.constant 16 : index
      %get3A_142 = tpu.vector_load %arg7[%get3A_140, %get3A_141] {strides = array<i32>} : memref<1024x32xf32, #tpu.memory_space<vmem>>, vector<16xf32>,
      %mul3A_143 = arith.mulf %get3A_142, %broadcast_in_dim3A_135 : vector<16xf32>
      tpu.vector_store_idx %arg12[%broadcast_in_dim3A_132, %iota3A], %mul3A_143 {add = true} : memref<1024x16xf32, #tpu.memory_space<vmem>>[vector<16xi32>, vector<16xi32>], vector<16xf32>,
      %mul3A_144 = arith.constant 16 : i32
      %mul3A_145 = arith.muli %scan3A_45, %mul3A_144 : i32
      %add3A_146 = arith.constant 5 : i32
      %add3A_147 = arith.addi %mul3A_145, %add3A_146 : i32
      %slice3A_148 = vector.extract_strided_slice %get3A_50 {offsets = [5], sizes = [1], strides = [1]} : vector<16xi32> to vector<1xi32>
      %squeeze3A_149 = vector.extract %slice3A_148[0] : i32 from vector<1xi32>
      %broadcast_in_dim3A_150 = vector.broadcast %squeeze3A_149 : i32 to vector<16xi32>
      %slice3A_151 = vector.extract_strided_slice %get3A_56 {offsets = [5], sizes = [1], strides = [1]} : vector<16xf32> to vector<1xf32>
      %squeeze3A_152 = vector.extract %slice3A_151[0] : f32 from vector<1xf32>
      %broadcast_in_dim3A_153 = vector.broadcast %squeeze3A_152 : f32 to vector<16xf32>
      %get3A_154 = arith.index_cast %add3A_147 : i32 to index
      %get3A_155 = arith.constant 0 : index
      %get3A_156 = tpu.vector_load %arg7[%get3A_154, %get3A_155] {strides = array<i32>} : memref<1024x32xf32, #tpu.memory_space<vmem>>, vector<16xf32>,
      %mul3A_157 = arith.mulf %get3A_156, %broadcast_in_dim3A_153 : vector<16xf32>
      tpu.vector_store_idx %arg11[%broadcast_in_dim3A_150, %iota3A], %mul3A_157 {add = true} : memref<1024x16xf32, #tpu.memory_space<vmem>>[vector<16xi32>, vector<16xi32>], vector<16xf32>,
      %get3A_158 = arith.index_cast %add3A_147 : i32 to index
      %get3A_159 = arith.constant 16 : index
      %get3A_160 = tpu.vector_load %arg7[%get3A_158, %get3A_159] {strides = array<i32>} : memref<1024x32xf32, #tpu.memory_space<vmem>>, vector<16xf32>,
      %mul3A_161 = arith.mulf %get3A_160, %broadcast_in_dim3A_153 : vector<16xf32>
      tpu.vector_store_idx %arg12[%broadcast_in_dim3A_150, %iota3A], %mul3A_161 {add = true} : memref<1024x16xf32, #tpu.memory_space<vmem>>[vector<16xi32>, vector<16xi32>], vector<16xf32>,
      %mul3A_162 = arith.constant 16 : i32
      %mul3A_163 = arith.muli %scan3A_45, %mul3A_162 : i32
      %add3A_164 = arith.constant 6 : i32
      %add3A_165 = arith.addi %mul3A_163, %add3A_164 : i32
      %slice3A_166 = vector.extract_strided_slice %get3A_50 {offsets = [6], sizes = [1], strides = [1]} : vector<16xi32> to vector<1xi32>
      %squeeze3A_167 = vector.extract %slice3A_166[0] : i32 from vector<1xi32>
      %broadcast_in_dim3A_168 = vector.broadcast %squeeze3A_167 : i32 to vector<16xi32>
      %slice3A_169 = vector.extract_strided_slice %get3A_56 {offsets = [6], sizes = [1], strides = [1]} : vector<16xf32> to vector<1xf32>
      %squeeze3A_170 = vector.extract %slice3A_169[0] : f32 from vector<1xf32>
      %broadcast_in_dim3A_171 = vector.broadcast %squeeze3A_170 : f32 to vector<16xf32>
      %get3A_172 = arith.index_cast %add3A_165 : i32 to index
      %get3A_173 = arith.constant 0 : index
      %get3A_174 = tpu.vector_load %arg7[%get3A_172, %get3A_173] {strides = array<i32>} : memref<1024x32xf32, #tpu.memory_space<vmem>>, vector<16xf32>,
      %mul3A_175 = arith.mulf %get3A_174, %broadcast_in_dim3A_171 : vector<16xf32>
      tpu.vector_store_idx %arg11[%broadcast_in_dim3A_168, %iota3A], %mul3A_175 {add = true} : memref<1024x16xf32, #tpu.memory_space<vmem>>[vector<16xi32>, vector<16xi32>], vector<16xf32>,
      %get3A_176 = arith.index_cast %add3A_165 : i32 to index
      %get3A_177 = arith.constant 16 : index
      %get3A_178 = tpu.vector_load %arg7[%get3A_176, %get3A_177] {strides = array<i32>} : memref<1024x32xf32, #tpu.memory_space<vmem>>, vector<16xf32>,
      %mul3A_179 = arith.mulf %get3A_178, %broadcast_in_dim3A_171 : vector<16xf32>
      tpu.vector_store_idx %arg12[%broadcast_in_dim3A_168, %iota3A], %mul3A_179 {add = true} : memref<1024x16xf32, #tpu.memory_space<vmem>>[vector<16xi32>, vector<16xi32>], vector<16xf32>,
      %mul3A_180 = arith.constant 16 : i32
      %mul3A_181 = arith.muli %scan3A_45, %mul3A_180 : i32
      %add3A_182 = arith.constant 7 : i32
      %add3A_183 = arith.addi %mul3A_181, %add3A_182 : i32
      %slice3A_184 = vector.extract_strided_slice %get3A_50 {offsets = [7], sizes = [1], strides = [1]} : vector<16xi32> to vector<1xi32>
      %squeeze3A_185 = vector.extract %slice3A_184[0] : i32 from vector<1xi32>
      %broadcast_in_dim3A_186 = vector.broadcast %squeeze3A_185 : i32 to vector<16xi32>
      %slice3A_187 = vector.extract_strided_slice %get3A_56 {offsets = [7], sizes = [1], strides = [1]} : vector<16xf32> to vector<1xf32>
      %squeeze3A_188 = vector.extract %slice3A_187[0] : f32 from vector<1xf32>
      %broadcast_in_dim3A_189 = vector.broadcast %squeeze3A_188 : f32 to vector<16xf32>
      %get3A_190 = arith.index_cast %add3A_183 : i32 to index
      %get3A_191 = arith.constant 0 : index
      %get3A_192 = tpu.vector_load %arg7[%get3A_190, %get3A_191] {strides = array<i32>} : memref<1024x32xf32, #tpu.memory_space<vmem>>, vector<16xf32>,
      %mul3A_193 = arith.mulf %get3A_192, %broadcast_in_dim3A_189 : vector<16xf32>
      tpu.vector_store_idx %arg11[%broadcast_in_dim3A_186, %iota3A], %mul3A_193 {add = true} : memref<1024x16xf32, #tpu.memory_space<vmem>>[vector<16xi32>, vector<16xi32>], vector<16xf32>,
      %get3A_194 = arith.index_cast %add3A_183 : i32 to index
      %get3A_195 = arith.constant 16 : index
      %get3A_196 = tpu.vector_load %arg7[%get3A_194, %get3A_195] {strides = array<i32>} : memref<1024x32xf32, #tpu.memory_space<vmem>>, vector<16xf32>,
      %mul3A_197 = arith.mulf %get3A_196, %broadcast_in_dim3A_189 : vector<16xf32>
      tpu.vector_store_idx %arg12[%broadcast_in_dim3A_186, %iota3A], %mul3A_197 {add = true} : memref<1024x16xf32, #tpu.memory_space<vmem>>[vector<16xi32>, vector<16xi32>], vector<16xf32>,
      %mul3A_198 = arith.constant 16 : i32
      %mul3A_199 = arith.muli %scan3A_45, %mul3A_198 : i32
      %add3A_200 = arith.constant 8 : i32
      %add3A_201 = arith.addi %mul3A_199, %add3A_200 : i32
      %slice3A_202 = vector.extract_strided_slice %get3A_50 {offsets = [8], sizes = [1], strides = [1]} : vector<16xi32> to vector<1xi32>
      %squeeze3A_203 = vector.extract %slice3A_202[0] : i32 from vector<1xi32>
      %broadcast_in_dim3A_204 = vector.broadcast %squeeze3A_203 : i32 to vector<16xi32>
      %slice3A_205 = vector.extract_strided_slice %get3A_56 {offsets = [8], sizes = [1], strides = [1]} : vector<16xf32> to vector<1xf32>
      %squeeze3A_206 = vector.extract %slice3A_205[0] : f32 from vector<1xf32>
      %broadcast_in_dim3A_207 = vector.broadcast %squeeze3A_206 : f32 to vector<16xf32>
      %get3A_208 = arith.index_cast %add3A_201 : i32 to index
      %get3A_209 = arith.constant 0 : index
      %get3A_210 = tpu.vector_load %arg7[%get3A_208, %get3A_209] {strides = array<i32>} : memref<1024x32xf32, #tpu.memory_space<vmem>>, vector<16xf32>,
      %mul3A_211 = arith.mulf %get3A_210, %broadcast_in_dim3A_207 : vector<16xf32>
      tpu.vector_store_idx %arg11[%broadcast_in_dim3A_204, %iota3A], %mul3A_211 {add = true} : memref<1024x16xf32, #tpu.memory_space<vmem>>[vector<16xi32>, vector<16xi32>], vector<16xf32>,
      %get3A_212 = arith.index_cast %add3A_201 : i32 to index
      %get3A_213 = arith.constant 16 : index
      %get3A_214 = tpu.vector_load %arg7[%get3A_212, %get3A_213] {strides = array<i32>} : memref<1024x32xf32, #tpu.memory_space<vmem>>, vector<16xf32>,
      %mul3A_215 = arith.mulf %get3A_214, %broadcast_in_dim3A_207 : vector<16xf32>
      tpu.vector_store_idx %arg12[%broadcast_in_dim3A_204, %iota3A], %mul3A_215 {add = true} : memref<1024x16xf32, #tpu.memory_space<vmem>>[vector<16xi32>, vector<16xi32>], vector<16xf32>,
      %mul3A_216 = arith.constant 16 : i32
      %mul3A_217 = arith.muli %scan3A_45, %mul3A_216 : i32
      %add3A_218 = arith.constant 9 : i32
      %add3A_219 = arith.addi %mul3A_217, %add3A_218 : i32
      %slice3A_220 = vector.extract_strided_slice %get3A_50 {offsets = [9], sizes = [1], strides = [1]} : vector<16xi32> to vector<1xi32>
      %squeeze3A_221 = vector.extract %slice3A_220[0] : i32 from vector<1xi32>
      %broadcast_in_dim3A_222 = vector.broadcast %squeeze3A_221 : i32 to vector<16xi32>
      %slice3A_223 = vector.extract_strided_slice %get3A_56 {offsets = [9], sizes = [1], strides = [1]} : vector<16xf32> to vector<1xf32>
      %squeeze3A_224 = vector.extract %slice3A_223[0] : f32 from vector<1xf32>
      %broadcast_in_dim3A_225 = vector.broadcast %squeeze3A_224 : f32 to vector<16xf32>
      %get3A_226 = arith.index_cast %add3A_219 : i32 to index
      %get3A_227 = arith.constant 0 : index
      %get3A_228 = tpu.vector_load %arg7[%get3A_226, %get3A_227] {strides = array<i32>} : memref<1024x32xf32, #tpu.memory_space<vmem>>, vector<16xf32>,
      %mul3A_229 = arith.mulf %get3A_228, %broadcast_in_dim3A_225 : vector<16xf32>
      tpu.vector_store_idx %arg11[%broadcast_in_dim3A_222, %iota3A], %mul3A_229 {add = true} : memref<1024x16xf32, #tpu.memory_space<vmem>>[vector<16xi32>, vector<16xi32>], vector<16xf32>,
      %get3A_230 = arith.index_cast %add3A_219 : i32 to index
      %get3A_231 = arith.constant 16 : index
      %get3A_232 = tpu.vector_load %arg7[%get3A_230, %get3A_231] {strides = array<i32>} : memref<1024x32xf32, #tpu.memory_space<vmem>>, vector<16xf32>,
      %mul3A_233 = arith.mulf %get3A_232, %broadcast_in_dim3A_225 : vector<16xf32>
      tpu.vector_store_idx %arg12[%broadcast_in_dim3A_222, %iota3A], %mul3A_233 {add = true} : memref<1024x16xf32, #tpu.memory_space<vmem>>[vector<16xi32>, vector<16xi32>], vector<16xf32>,
      %mul3A_234 = arith.constant 16 : i32
      %mul3A_235 = arith.muli %scan3A_45, %mul3A_234 : i32
      %add3A_236 = arith.constant 10 : i32
      %add3A_237 = arith.addi %mul3A_235, %add3A_236 : i32
      %slice3A_238 = vector.extract_strided_slice %get3A_50 {offsets = [10], sizes = [1], strides = [1]} : vector<16xi32> to vector<1xi32>
      %squeeze3A_239 = vector.extract %slice3A_238[0] : i32 from vector<1xi32>
      %broadcast_in_dim3A_240 = vector.broadcast %squeeze3A_239 : i32 to vector<16xi32>
      %slice3A_241 = vector.extract_strided_slice %get3A_56 {offsets = [10], sizes = [1], strides = [1]} : vector<16xf32> to vector<1xf32>
      %squeeze3A_242 = vector.extract %slice3A_241[0] : f32 from vector<1xf32>
      %broadcast_in_dim3A_243 = vector.broadcast %squeeze3A_242 : f32 to vector<16xf32>
      %get3A_244 = arith.index_cast %add3A_237 : i32 to index
      %get3A_245 = arith.constant 0 : index
      %get3A_246 = tpu.vector_load %arg7[%get3A_244, %get3A_245] {strides = array<i32>} : memref<1024x32xf32, #tpu.memory_space<vmem>>, vector<16xf32>,
      %mul3A_247 = arith.mulf %get3A_246, %broadcast_in_dim3A_243 : vector<16xf32>
      tpu.vector_store_idx %arg11[%broadcast_in_dim3A_240, %iota3A], %mul3A_247 {add = true} : memref<1024x16xf32, #tpu.memory_space<vmem>>[vector<16xi32>, vector<16xi32>], vector<16xf32>,
      %get3A_248 = arith.index_cast %add3A_237 : i32 to index
      %get3A_249 = arith.constant 16 : index
      %get3A_250 = tpu.vector_load %arg7[%get3A_248, %get3A_249] {strides = array<i32>} : memref<1024x32xf32, #tpu.memory_space<vmem>>, vector<16xf32>,
      %mul3A_251 = arith.mulf %get3A_250, %broadcast_in_dim3A_243 : vector<16xf32>
      tpu.vector_store_idx %arg12[%broadcast_in_dim3A_240, %iota3A], %mul3A_251 {add = true} : memref<1024x16xf32, #tpu.memory_space<vmem>>[vector<16xi32>, vector<16xi32>], vector<16xf32>,
      %mul3A_252 = arith.constant 16 : i32
      %mul3A_253 = arith.muli %scan3A_45, %mul3A_252 : i32
      %add3A_254 = arith.constant 11 : i32
      %add3A_255 = arith.addi %mul3A_253, %add3A_254 : i32
      %slice3A_256 = vector.extract_strided_slice %get3A_50 {offsets = [11], sizes = [1], strides = [1]} : vector<16xi32> to vector<1xi32>
      %squeeze3A_257 = vector.extract %slice3A_256[0] : i32 from vector<1xi32>
      %broadcast_in_dim3A_258 = vector.broadcast %squeeze3A_257 : i32 to vector<16xi32>
      %slice3A_259 = vector.extract_strided_slice %get3A_56 {offsets = [11], sizes = [1], strides = [1]} : vector<16xf32> to vector<1xf32>
      %squeeze3A_260 = vector.extract %slice3A_259[0] : f32 from vector<1xf32>
      %broadcast_in_dim3A_261 = vector.broadcast %squeeze3A_260 : f32 to vector<16xf32>
      %get3A_262 = arith.index_cast %add3A_255 : i32 to index
      %get3A_263 = arith.constant 0 : index
      %get3A_264 = tpu.vector_load %arg7[%get3A_262, %get3A_263] {strides = array<i32>} : memref<1024x32xf32, #tpu.memory_space<vmem>>, vector<16xf32>,
      %mul3A_265 = arith.mulf %get3A_264, %broadcast_in_dim3A_261 : vector<16xf32>
      tpu.vector_store_idx %arg11[%broadcast_in_dim3A_258, %iota3A], %mul3A_265 {add = true} : memref<1024x16xf32, #tpu.memory_space<vmem>>[vector<16xi32>, vector<16xi32>], vector<16xf32>,
      %get3A_266 = arith.index_cast %add3A_255 : i32 to index
      %get3A_267 = arith.constant 16 : index
      %get3A_268 = tpu.vector_load %arg7[%get3A_266, %get3A_267] {strides = array<i32>} : memref<1024x32xf32, #tpu.memory_space<vmem>>, vector<16xf32>,
      %mul3A_269 = arith.mulf %get3A_268, %broadcast_in_dim3A_261 : vector<16xf32>
      tpu.vector_store_idx %arg12[%broadcast_in_dim3A_258, %iota3A], %mul3A_269 {add = true} : memref<1024x16xf32, #tpu.memory_space<vmem>>[vector<16xi32>, vector<16xi32>], vector<16xf32>,
      %mul3A_270 = arith.constant 16 : i32
      %mul3A_271 = arith.muli %scan3A_45, %mul3A_270 : i32
      %add3A_272 = arith.constant 12 : i32
      %add3A_273 = arith.addi %mul3A_271, %add3A_272 : i32
      %slice3A_274 = vector.extract_strided_slice %get3A_50 {offsets = [12], sizes = [1], strides = [1]} : vector<16xi32> to vector<1xi32>
      %squeeze3A_275 = vector.extract %slice3A_274[0] : i32 from vector<1xi32>
      %broadcast_in_dim3A_276 = vector.broadcast %squeeze3A_275 : i32 to vector<16xi32>
      %slice3A_277 = vector.extract_strided_slice %get3A_56 {offsets = [12], sizes = [1], strides = [1]} : vector<16xf32> to vector<1xf32>
      %squeeze3A_278 = vector.extract %slice3A_277[0] : f32 from vector<1xf32>
      %broadcast_in_dim3A_279 = vector.broadcast %squeeze3A_278 : f32 to vector<16xf32>
      %get3A_280 = arith.index_cast %add3A_273 : i32 to index
      %get3A_281 = arith.constant 0 : index
      %get3A_282 = tpu.vector_load %arg7[%get3A_280, %get3A_281] {strides = array<i32>} : memref<1024x32xf32, #tpu.memory_space<vmem>>, vector<16xf32>,
      %mul3A_283 = arith.mulf %get3A_282, %broadcast_in_dim3A_279 : vector<16xf32>
      tpu.vector_store_idx %arg11[%broadcast_in_dim3A_276, %iota3A], %mul3A_283 {add = true} : memref<1024x16xf32, #tpu.memory_space<vmem>>[vector<16xi32>, vector<16xi32>], vector<16xf32>,
      %get3A_284 = arith.index_cast %add3A_273 : i32 to index
      %get3A_285 = arith.constant 16 : index
      %get3A_286 = tpu.vector_load %arg7[%get3A_284, %get3A_285] {strides = array<i32>} : memref<1024x32xf32, #tpu.memory_space<vmem>>, vector<16xf32>,
      %mul3A_287 = arith.mulf %get3A_286, %broadcast_in_dim3A_279 : vector<16xf32>
      tpu.vector_store_idx %arg12[%broadcast_in_dim3A_276, %iota3A], %mul3A_287 {add = true} : memref<1024x16xf32, #tpu.memory_space<vmem>>[vector<16xi32>, vector<16xi32>], vector<16xf32>,
      %mul3A_288 = arith.constant 16 : i32
      %mul3A_289 = arith.muli %scan3A_45, %mul3A_288 : i32
      %add3A_290 = arith.constant 13 : i32
      %add3A_291 = arith.addi %mul3A_289, %add3A_290 : i32
      %slice3A_292 = vector.extract_strided_slice %get3A_50 {offsets = [13], sizes = [1], strides = [1]} : vector<16xi32> to vector<1xi32>
      %squeeze3A_293 = vector.extract %slice3A_292[0] : i32 from vector<1xi32>
      %broadcast_in_dim3A_294 = vector.broadcast %squeeze3A_293 : i32 to vector<16xi32>
      %slice3A_295 = vector.extract_strided_slice %get3A_56 {offsets = [13], sizes = [1], strides = [1]} : vector<16xf32> to vector<1xf32>
      %squeeze3A_296 = vector.extract %slice3A_295[0] : f32 from vector<1xf32>
      %broadcast_in_dim3A_297 = vector.broadcast %squeeze3A_296 : f32 to vector<16xf32>
      %get3A_298 = arith.index_cast %add3A_291 : i32 to index
      %get3A_299 = arith.constant 0 : index
      %get3A_300 = tpu.vector_load %arg7[%get3A_298, %get3A_299] {strides = array<i32>} : memref<1024x32xf32, #tpu.memory_space<vmem>>, vector<16xf32>,
      %mul3A_301 = arith.mulf %get3A_300, %broadcast_in_dim3A_297 : vector<16xf32>
      tpu.vector_store_idx %arg11[%broadcast_in_dim3A_294, %iota3A], %mul3A_301 {add = true} : memref<1024x16xf32, #tpu.memory_space<vmem>>[vector<16xi32>, vector<16xi32>], vector<16xf32>,
      %get3A_302 = arith.index_cast %add3A_291 : i32 to index
      %get3A_303 = arith.constant 16 : index
      %get3A_304 = tpu.vector_load %arg7[%get3A_302, %get3A_303] {strides = array<i32>} : memref<1024x32xf32, #tpu.memory_space<vmem>>, vector<16xf32>,
      %mul3A_305 = arith.mulf %get3A_304, %broadcast_in_dim3A_297 : vector<16xf32>
      tpu.vector_store_idx %arg12[%broadcast_in_dim3A_294, %iota3A], %mul3A_305 {add = true} : memref<1024x16xf32, #tpu.memory_space<vmem>>[vector<16xi32>, vector<16xi32>], vector<16xf32>,
      %mul3A_306 = arith.constant 16 : i32
      %mul3A_307 = arith.muli %scan3A_45, %mul3A_306 : i32
      %add3A_308 = arith.constant 14 : i32
      %add3A_309 = arith.addi %mul3A_307, %add3A_308 : i32
      %slice3A_310 = vector.extract_strided_slice %get3A_50 {offsets = [14], sizes = [1], strides = [1]} : vector<16xi32> to vector<1xi32>
      %squeeze3A_311 = vector.extract %slice3A_310[0] : i32 from vector<1xi32>
      %broadcast_in_dim3A_312 = vector.broadcast %squeeze3A_311 : i32 to vector<16xi32>
      %slice3A_313 = vector.extract_strided_slice %get3A_56 {offsets = [14], sizes = [1], strides = [1]} : vector<16xf32> to vector<1xf32>
      %squeeze3A_314 = vector.extract %slice3A_313[0] : f32 from vector<1xf32>
      %broadcast_in_dim3A_315 = vector.broadcast %squeeze3A_314 : f32 to vector<16xf32>
      %get3A_316 = arith.index_cast %add3A_309 : i32 to index
      %get3A_317 = arith.constant 0 : index
      %get3A_318 = tpu.vector_load %arg7[%get3A_316, %get3A_317] {strides = array<i32>} : memref<1024x32xf32, #tpu.memory_space<vmem>>, vector<16xf32>,
      %mul3A_319 = arith.mulf %get3A_318, %broadcast_in_dim3A_315 : vector<16xf32>
      tpu.vector_store_idx %arg11[%broadcast_in_dim3A_312, %iota3A], %mul3A_319 {add = true} : memref<1024x16xf32, #tpu.memory_space<vmem>>[vector<16xi32>, vector<16xi32>], vector<16xf32>,
      %get3A_320 = arith.index_cast %add3A_309 : i32 to index
      %get3A_321 = arith.constant 16 : index
      %get3A_322 = tpu.vector_load %arg7[%get3A_320, %get3A_321] {strides = array<i32>} : memref<1024x32xf32, #tpu.memory_space<vmem>>, vector<16xf32>,
      %mul3A_323 = arith.mulf %get3A_322, %broadcast_in_dim3A_315 : vector<16xf32>
      tpu.vector_store_idx %arg12[%broadcast_in_dim3A_312, %iota3A], %mul3A_323 {add = true} : memref<1024x16xf32, #tpu.memory_space<vmem>>[vector<16xi32>, vector<16xi32>], vector<16xf32>,
      %mul3A_324 = arith.constant 16 : i32
      %mul3A_325 = arith.muli %scan3A_45, %mul3A_324 : i32
      %add3A_326 = arith.constant 15 : i32
      %add3A_327 = arith.addi %mul3A_325, %add3A_326 : i32
      %slice3A_328 = vector.extract_strided_slice %get3A_50 {offsets = [15], sizes = [1], strides = [1]} : vector<16xi32> to vector<1xi32>
      %squeeze3A_329 = vector.extract %slice3A_328[0] : i32 from vector<1xi32>
      %broadcast_in_dim3A_330 = vector.broadcast %squeeze3A_329 : i32 to vector<16xi32>
      %slice3A_331 = vector.extract_strided_slice %get3A_56 {offsets = [15], sizes = [1], strides = [1]} : vector<16xf32> to vector<1xf32>
      %squeeze3A_332 = vector.extract %slice3A_331[0] : f32 from vector<1xf32>
      %broadcast_in_dim3A_333 = vector.broadcast %squeeze3A_332 : f32 to vector<16xf32>
      %get3A_334 = arith.index_cast %add3A_327 : i32 to index
      %get3A_335 = arith.constant 0 : index
      %get3A_336 = tpu.vector_load %arg7[%get3A_334, %get3A_335] {strides = array<i32>} : memref<1024x32xf32, #tpu.memory_space<vmem>>, vector<16xf32>,
      %mul3A_337 = arith.mulf %get3A_336, %broadcast_in_dim3A_333 : vector<16xf32>
      tpu.vector_store_idx %arg11[%broadcast_in_dim3A_330, %iota3A], %mul3A_337 {add = true} : memref<1024x16xf32, #tpu.memory_space<vmem>>[vector<16xi32>, vector<16xi32>], vector<16xf32>,
      %get3A_338 = arith.index_cast %add3A_327 : i32 to index
      %get3A_339 = arith.constant 16 : index
      %get3A_340 = tpu.vector_load %arg7[%get3A_338, %get3A_339] {strides = array<i32>} : memref<1024x32xf32, #tpu.memory_space<vmem>>, vector<16xf32>,
      %mul3A_341 = arith.mulf %get3A_340, %broadcast_in_dim3A_333 : vector<16xf32>
      tpu.vector_store_idx %arg12[%broadcast_in_dim3A_330, %iota3A], %mul3A_341 {add = true} : memref<1024x16xf32, #tpu.memory_space<vmem>>[vector<16xi32>, vector<16xi32>], vector<16xf32>,
    }
    %scan3A_27 = arith.constant 64 : i32
    %dma_wait3A_28 = arith.constant 0 : i32
    %dma_wait3A_29 = arith.constant 1024 : i32
    %dma_wait3A_30 = tpu.memref_slice %arg2[%dma_wait3A_28, %dma_wait3A_29, %mul3A_2] : memref<1x2048x1024xf32, #tpu.memory_space<hbm>> -> memref<1x1024x32xf32, #tpu.memory_space<hbm>>
    %dma_wait3A_31 = tpu.memref_squeeze %dma_wait3A_30 : memref<1x1024x32xf32, #tpu.memory_space<hbm>> -> memref<1024x32xf32, #tpu.memory_space<hbm>>
    %dma_wait3A_32 = arith.constant 1024 : i32
    %dma_wait3A_33 = tpu.memref_slice %arg2[%dma_wait3A_28, %dma_wait3A_32, %mul3A_2] : memref<1x2048x1024xf32, #tpu.memory_space<hbm>> -> memref<1x1024x32xf32, #tpu.memory_space<hbm>>
    %dma_wait3A_34 = tpu.memref_squeeze %dma_wait3A_33 : memref<1x1024x32xf32, #tpu.memory_space<hbm>> -> memref<1024x32xf32, #tpu.memory_space<hbm>>
    tpu.wait_dma2 semaphore(%arg13 : memref<!tpu.dma_semaphore, #tpu.memory_space<semaphore_mem>>) src(%dma_wait3A_34 : memref<1024x32xf32, #tpu.memory_space<hbm>>) dst(%arg8 : memref<1024x32xf32, #tpu.memory_space<vmem>>)
    %scan3A_35 = arith.constant 0 : i32
    %scan3A_36 = arith.constant 0 : i32
    %scan3A_37 = arith.constant 64 : i32
    %scan3A_38 = arith.addi %scan3A_36, %scan3A_37 : i32
    %scan3A_39 = arith.constant 1 : i32
    scf.for %scan3A_45 = %scan3A_36 to %scan3A_38 step %scan3A_39  : i32 {
      %mul3A_46 = arith.constant 16 : i32
      %mul3A_47 = arith.muli %scan3A_45, %mul3A_46 : i32
      %add3A_48 = arith.constant 1024 : i32
      %add3A_49 = arith.addi %add3A_48, %mul3A_47 : i32
      %get3A = arith.index_cast %add3A_49 : i32 to index
      %get3A_50 = tpu.vector_load %arg9[%get3A] {strides = array<i32>} : memref<2048xi32, #tpu.memory_space<vmem>>, vector<16xi32>,
      %mul3A_51 = arith.constant 16 : i32
      %mul3A_52 = arith.muli %scan3A_45, %mul3A_51 : i32
      %add3A_53 = arith.constant 1024 : i32
      %add3A_54 = arith.addi %add3A_53, %mul3A_52 : i32
      %get3A_55 = arith.index_cast %add3A_54 : i32 to index
      %get3A_56 = tpu.vector_load %arg10[%get3A_55] {strides = array<i32>} : memref<2048xf32, #tpu.memory_space<vmem>>, vector<16xf32>,
      %mul3A_57 = arith.constant 16 : i32
      %mul3A_58 = arith.muli %scan3A_45, %mul3A_57 : i32
      %add3A_59 = arith.constant 0 : i32
      %add3A_60 = arith.addi %mul3A_58, %add3A_59 : i32
      %slice3A = vector.extract_strided_slice %get3A_50 {offsets = [0], sizes = [1], strides = [1]} : vector<16xi32> to vector<1xi32>
      %squeeze3A = vector.extract %slice3A[0] : i32 from vector<1xi32>
      %broadcast_in_dim3A = vector.broadcast %squeeze3A : i32 to vector<16xi32>
      %slice3A_61 = vector.extract_strided_slice %get3A_56 {offsets = [0], sizes = [1], strides = [1]} : vector<16xf32> to vector<1xf32>
      %squeeze3A_62 = vector.extract %slice3A_61[0] : f32 from vector<1xf32>
      %broadcast_in_dim3A_63 = vector.broadcast %squeeze3A_62 : f32 to vector<16xf32>
      %get3A_64 = arith.index_cast %add3A_60 : i32 to index
      %get3A_65 = arith.constant 0 : index
      %get3A_66 = tpu.vector_load %arg8[%get3A_64, %get3A_65] {strides = array<i32>} : memref<1024x32xf32, #tpu.memory_space<vmem>>, vector<16xf32>,
      %mul3A_67 = arith.mulf %get3A_66, %broadcast_in_dim3A_63 : vector<16xf32>
      tpu.vector_store_idx %arg11[%broadcast_in_dim3A, %iota3A], %mul3A_67 {add = true} : memref<1024x16xf32, #tpu.memory_space<vmem>>[vector<16xi32>, vector<16xi32>], vector<16xf32>,
      %get3A_68 = arith.index_cast %add3A_60 : i32 to index
      %get3A_69 = arith.constant 16 : index
      %get3A_70 = tpu.vector_load %arg8[%get3A_68, %get3A_69] {strides = array<i32>} : memref<1024x32xf32, #tpu.memory_space<vmem>>, vector<16xf32>,
      %mul3A_71 = arith.mulf %get3A_70, %broadcast_in_dim3A_63 : vector<16xf32>
      tpu.vector_store_idx %arg12[%broadcast_in_dim3A, %iota3A], %mul3A_71 {add = true} : memref<1024x16xf32, #tpu.memory_space<vmem>>[vector<16xi32>, vector<16xi32>], vector<16xf32>,
      %mul3A_72 = arith.constant 16 : i32
      %mul3A_73 = arith.muli %scan3A_45, %mul3A_72 : i32
      %add3A_74 = arith.constant 1 : i32
      %add3A_75 = arith.addi %mul3A_73, %add3A_74 : i32
      %slice3A_76 = vector.extract_strided_slice %get3A_50 {offsets = [1], sizes = [1], strides = [1]} : vector<16xi32> to vector<1xi32>
      %squeeze3A_77 = vector.extract %slice3A_76[0] : i32 from vector<1xi32>
      %broadcast_in_dim3A_78 = vector.broadcast %squeeze3A_77 : i32 to vector<16xi32>
      %slice3A_79 = vector.extract_strided_slice %get3A_56 {offsets = [1], sizes = [1], strides = [1]} : vector<16xf32> to vector<1xf32>
      %squeeze3A_80 = vector.extract %slice3A_79[0] : f32 from vector<1xf32>
      %broadcast_in_dim3A_81 = vector.broadcast %squeeze3A_80 : f32 to vector<16xf32>
      %get3A_82 = arith.index_cast %add3A_75 : i32 to index
      %get3A_83 = arith.constant 0 : index
      %get3A_84 = tpu.vector_load %arg8[%get3A_82, %get3A_83] {strides = array<i32>} : memref<1024x32xf32, #tpu.memory_space<vmem>>, vector<16xf32>,
      %mul3A_85 = arith.mulf %get3A_84, %broadcast_in_dim3A_81 : vector<16xf32>
      tpu.vector_store_idx %arg11[%broadcast_in_dim3A_78, %iota3A], %mul3A_85 {add = true} : memref<1024x16xf32, #tpu.memory_space<vmem>>[vector<16xi32>, vector<16xi32>], vector<16xf32>,
      %get3A_86 = arith.index_cast %add3A_75 : i32 to index
      %get3A_87 = arith.constant 16 : index
      %get3A_88 = tpu.vector_load %arg8[%get3A_86, %get3A_87] {strides = array<i32>} : memref<1024x32xf32, #tpu.memory_space<vmem>>, vector<16xf32>,
      %mul3A_89 = arith.mulf %get3A_88, %broadcast_in_dim3A_81 : vector<16xf32>
      tpu.vector_store_idx %arg12[%broadcast_in_dim3A_78, %iota3A], %mul3A_89 {add = true} : memref<1024x16xf32, #tpu.memory_space<vmem>>[vector<16xi32>, vector<16xi32>], vector<16xf32>,
      %mul3A_90 = arith.constant 16 : i32
      %mul3A_91 = arith.muli %scan3A_45, %mul3A_90 : i32
      %add3A_92 = arith.constant 2 : i32
      %add3A_93 = arith.addi %mul3A_91, %add3A_92 : i32
      %slice3A_94 = vector.extract_strided_slice %get3A_50 {offsets = [2], sizes = [1], strides = [1]} : vector<16xi32> to vector<1xi32>
      %squeeze3A_95 = vector.extract %slice3A_94[0] : i32 from vector<1xi32>
      %broadcast_in_dim3A_96 = vector.broadcast %squeeze3A_95 : i32 to vector<16xi32>
      %slice3A_97 = vector.extract_strided_slice %get3A_56 {offsets = [2], sizes = [1], strides = [1]} : vector<16xf32> to vector<1xf32>
      %squeeze3A_98 = vector.extract %slice3A_97[0] : f32 from vector<1xf32>
      %broadcast_in_dim3A_99 = vector.broadcast %squeeze3A_98 : f32 to vector<16xf32>
      %get3A_100 = arith.index_cast %add3A_93 : i32 to index
      %get3A_101 = arith.constant 0 : index
      %get3A_102 = tpu.vector_load %arg8[%get3A_100, %get3A_101] {strides = array<i32>} : memref<1024x32xf32, #tpu.memory_space<vmem>>, vector<16xf32>,
      %mul3A_103 = arith.mulf %get3A_102, %broadcast_in_dim3A_99 : vector<16xf32>
      tpu.vector_store_idx %arg11[%broadcast_in_dim3A_96, %iota3A], %mul3A_103 {add = true} : memref<1024x16xf32, #tpu.memory_space<vmem>>[vector<16xi32>, vector<16xi32>], vector<16xf32>,
      %get3A_104 = arith.index_cast %add3A_93 : i32 to index
      %get3A_105 = arith.constant 16 : index
      %get3A_106 = tpu.vector_load %arg8[%get3A_104, %get3A_105] {strides = array<i32>} : memref<1024x32xf32, #tpu.memory_space<vmem>>, vector<16xf32>,
      %mul3A_107 = arith.mulf %get3A_106, %broadcast_in_dim3A_99 : vector<16xf32>
      tpu.vector_store_idx %arg12[%broadcast_in_dim3A_96, %iota3A], %mul3A_107 {add = true} : memref<1024x16xf32, #tpu.memory_space<vmem>>[vector<16xi32>, vector<16xi32>], vector<16xf32>,
      %mul3A_108 = arith.constant 16 : i32
      %mul3A_109 = arith.muli %scan3A_45, %mul3A_108 : i32
      %add3A_110 = arith.constant 3 : i32
      %add3A_111 = arith.addi %mul3A_109, %add3A_110 : i32
      %slice3A_112 = vector.extract_strided_slice %get3A_50 {offsets = [3], sizes = [1], strides = [1]} : vector<16xi32> to vector<1xi32>
      %squeeze3A_113 = vector.extract %slice3A_112[0] : i32 from vector<1xi32>
      %broadcast_in_dim3A_114 = vector.broadcast %squeeze3A_113 : i32 to vector<16xi32>
      %slice3A_115 = vector.extract_strided_slice %get3A_56 {offsets = [3], sizes = [1], strides = [1]} : vector<16xf32> to vector<1xf32>
      %squeeze3A_116 = vector.extract %slice3A_115[0] : f32 from vector<1xf32>
      %broadcast_in_dim3A_117 = vector.broadcast %squeeze3A_116 : f32 to vector<16xf32>
      %get3A_118 = arith.index_cast %add3A_111 : i32 to index
      %get3A_119 = arith.constant 0 : index
      %get3A_120 = tpu.vector_load %arg8[%get3A_118, %get3A_119] {strides = array<i32>} : memref<1024x32xf32, #tpu.memory_space<vmem>>, vector<16xf32>,
      %mul3A_121 = arith.mulf %get3A_120, %broadcast_in_dim3A_117 : vector<16xf32>
      tpu.vector_store_idx %arg11[%broadcast_in_dim3A_114, %iota3A], %mul3A_121 {add = true} : memref<1024x16xf32, #tpu.memory_space<vmem>>[vector<16xi32>, vector<16xi32>], vector<16xf32>,
      %get3A_122 = arith.index_cast %add3A_111 : i32 to index
      %get3A_123 = arith.constant 16 : index
      %get3A_124 = tpu.vector_load %arg8[%get3A_122, %get3A_123] {strides = array<i32>} : memref<1024x32xf32, #tpu.memory_space<vmem>>, vector<16xf32>,
      %mul3A_125 = arith.mulf %get3A_124, %broadcast_in_dim3A_117 : vector<16xf32>
      tpu.vector_store_idx %arg12[%broadcast_in_dim3A_114, %iota3A], %mul3A_125 {add = true} : memref<1024x16xf32, #tpu.memory_space<vmem>>[vector<16xi32>, vector<16xi32>], vector<16xf32>,
      %mul3A_126 = arith.constant 16 : i32
      %mul3A_127 = arith.muli %scan3A_45, %mul3A_126 : i32
      %add3A_128 = arith.constant 4 : i32
      %add3A_129 = arith.addi %mul3A_127, %add3A_128 : i32
      %slice3A_130 = vector.extract_strided_slice %get3A_50 {offsets = [4], sizes = [1], strides = [1]} : vector<16xi32> to vector<1xi32>
      %squeeze3A_131 = vector.extract %slice3A_130[0] : i32 from vector<1xi32>
      %broadcast_in_dim3A_132 = vector.broadcast %squeeze3A_131 : i32 to vector<16xi32>
      %slice3A_133 = vector.extract_strided_slice %get3A_56 {offsets = [4], sizes = [1], strides = [1]} : vector<16xf32> to vector<1xf32>
      %squeeze3A_134 = vector.extract %slice3A_133[0] : f32 from vector<1xf32>
      %broadcast_in_dim3A_135 = vector.broadcast %squeeze3A_134 : f32 to vector<16xf32>
      %get3A_136 = arith.index_cast %add3A_129 : i32 to index
      %get3A_137 = arith.constant 0 : index
      %get3A_138 = tpu.vector_load %arg8[%get3A_136, %get3A_137] {strides = array<i32>} : memref<1024x32xf32, #tpu.memory_space<vmem>>, vector<16xf32>,
      %mul3A_139 = arith.mulf %get3A_138, %broadcast_in_dim3A_135 : vector<16xf32>
      tpu.vector_store_idx %arg11[%broadcast_in_dim3A_132, %iota3A], %mul3A_139 {add = true} : memref<1024x16xf32, #tpu.memory_space<vmem>>[vector<16xi32>, vector<16xi32>], vector<16xf32>,
      %get3A_140 = arith.index_cast %add3A_129 : i32 to index
      %get3A_141 = arith.constant 16 : index
      %get3A_142 = tpu.vector_load %arg8[%get3A_140, %get3A_141] {strides = array<i32>} : memref<1024x32xf32, #tpu.memory_space<vmem>>, vector<16xf32>,
      %mul3A_143 = arith.mulf %get3A_142, %broadcast_in_dim3A_135 : vector<16xf32>
      tpu.vector_store_idx %arg12[%broadcast_in_dim3A_132, %iota3A], %mul3A_143 {add = true} : memref<1024x16xf32, #tpu.memory_space<vmem>>[vector<16xi32>, vector<16xi32>], vector<16xf32>,
      %mul3A_144 = arith.constant 16 : i32
      %mul3A_145 = arith.muli %scan3A_45, %mul3A_144 : i32
      %add3A_146 = arith.constant 5 : i32
      %add3A_147 = arith.addi %mul3A_145, %add3A_146 : i32
      %slice3A_148 = vector.extract_strided_slice %get3A_50 {offsets = [5], sizes = [1], strides = [1]} : vector<16xi32> to vector<1xi32>
      %squeeze3A_149 = vector.extract %slice3A_148[0] : i32 from vector<1xi32>
      %broadcast_in_dim3A_150 = vector.broadcast %squeeze3A_149 : i32 to vector<16xi32>
      %slice3A_151 = vector.extract_strided_slice %get3A_56 {offsets = [5], sizes = [1], strides = [1]} : vector<16xf32> to vector<1xf32>
      %squeeze3A_152 = vector.extract %slice3A_151[0] : f32 from vector<1xf32>
      %broadcast_in_dim3A_153 = vector.broadcast %squeeze3A_152 : f32 to vector<16xf32>
      %get3A_154 = arith.index_cast %add3A_147 : i32 to index
      %get3A_155 = arith.constant 0 : index
      %get3A_156 = tpu.vector_load %arg8[%get3A_154, %get3A_155] {strides = array<i32>} : memref<1024x32xf32, #tpu.memory_space<vmem>>, vector<16xf32>,
      %mul3A_157 = arith.mulf %get3A_156, %broadcast_in_dim3A_153 : vector<16xf32>
      tpu.vector_store_idx %arg11[%broadcast_in_dim3A_150, %iota3A], %mul3A_157 {add = true} : memref<1024x16xf32, #tpu.memory_space<vmem>>[vector<16xi32>, vector<16xi32>], vector<16xf32>,
      %get3A_158 = arith.index_cast %add3A_147 : i32 to index
      %get3A_159 = arith.constant 16 : index
      %get3A_160 = tpu.vector_load %arg8[%get3A_158, %get3A_159] {strides = array<i32>} : memref<1024x32xf32, #tpu.memory_space<vmem>>, vector<16xf32>,
      %mul3A_161 = arith.mulf %get3A_160, %broadcast_in_dim3A_153 : vector<16xf32>
      tpu.vector_store_idx %arg12[%broadcast_in_dim3A_150, %iota3A], %mul3A_161 {add = true} : memref<1024x16xf32, #tpu.memory_space<vmem>>[vector<16xi32>, vector<16xi32>], vector<16xf32>,
      %mul3A_162 = arith.constant 16 : i32
      %mul3A_163 = arith.muli %scan3A_45, %mul3A_162 : i32
      %add3A_164 = arith.constant 6 : i32
      %add3A_165 = arith.addi %mul3A_163, %add3A_164 : i32
      %slice3A_166 = vector.extract_strided_slice %get3A_50 {offsets = [6], sizes = [1], strides = [1]} : vector<16xi32> to vector<1xi32>
      %squeeze3A_167 = vector.extract %slice3A_166[0] : i32 from vector<1xi32>
      %broadcast_in_dim3A_168 = vector.broadcast %squeeze3A_167 : i32 to vector<16xi32>
      %slice3A_169 = vector.extract_strided_slice %get3A_56 {offsets = [6], sizes = [1], strides = [1]} : vector<16xf32> to vector<1xf32>
      %squeeze3A_170 = vector.extract %slice3A_169[0] : f32 from vector<1xf32>
      %broadcast_in_dim3A_171 = vector.broadcast %squeeze3A_170 : f32 to vector<16xf32>
      %get3A_172 = arith.index_cast %add3A_165 : i32 to index
      %get3A_173 = arith.constant 0 : index
      %get3A_174 = tpu.vector_load %arg8[%get3A_172, %get3A_173] {strides = array<i32>} : memref<1024x32xf32, #tpu.memory_space<vmem>>, vector<16xf32>,
      %mul3A_175 = arith.mulf %get3A_174, %broadcast_in_dim3A_171 : vector<16xf32>
      tpu.vector_store_idx %arg11[%broadcast_in_dim3A_168, %iota3A], %mul3A_175 {add = true} : memref<1024x16xf32, #tpu.memory_space<vmem>>[vector<16xi32>, vector<16xi32>], vector<16xf32>,
      %get3A_176 = arith.index_cast %add3A_165 : i32 to index
      %get3A_177 = arith.constant 16 : index
      %get3A_178 = tpu.vector_load %arg8[%get3A_176, %get3A_177] {strides = array<i32>} : memref<1024x32xf32, #tpu.memory_space<vmem>>, vector<16xf32>,
      %mul3A_179 = arith.mulf %get3A_178, %broadcast_in_dim3A_171 : vector<16xf32>
      tpu.vector_store_idx %arg12[%broadcast_in_dim3A_168, %iota3A], %mul3A_179 {add = true} : memref<1024x16xf32, #tpu.memory_space<vmem>>[vector<16xi32>, vector<16xi32>], vector<16xf32>,
      %mul3A_180 = arith.constant 16 : i32
      %mul3A_181 = arith.muli %scan3A_45, %mul3A_180 : i32
      %add3A_182 = arith.constant 7 : i32
      %add3A_183 = arith.addi %mul3A_181, %add3A_182 : i32
      %slice3A_184 = vector.extract_strided_slice %get3A_50 {offsets = [7], sizes = [1], strides = [1]} : vector<16xi32> to vector<1xi32>
      %squeeze3A_185 = vector.extract %slice3A_184[0] : i32 from vector<1xi32>
      %broadcast_in_dim3A_186 = vector.broadcast %squeeze3A_185 : i32 to vector<16xi32>
      %slice3A_187 = vector.extract_strided_slice %get3A_56 {offsets = [7], sizes = [1], strides = [1]} : vector<16xf32> to vector<1xf32>
      %squeeze3A_188 = vector.extract %slice3A_187[0] : f32 from vector<1xf32>
      %broadcast_in_dim3A_189 = vector.broadcast %squeeze3A_188 : f32 to vector<16xf32>
      %get3A_190 = arith.index_cast %add3A_183 : i32 to index
      %get3A_191 = arith.constant 0 : index
      %get3A_192 = tpu.vector_load %arg8[%get3A_190, %get3A_191] {strides = array<i32>} : memref<1024x32xf32, #tpu.memory_space<vmem>>, vector<16xf32>,
      %mul3A_193 = arith.mulf %get3A_192, %broadcast_in_dim3A_189 : vector<16xf32>
      tpu.vector_store_idx %arg11[%broadcast_in_dim3A_186, %iota3A], %mul3A_193 {add = true} : memref<1024x16xf32, #tpu.memory_space<vmem>>[vector<16xi32>, vector<16xi32>], vector<16xf32>,
      %get3A_194 = arith.index_cast %add3A_183 : i32 to index
      %get3A_195 = arith.constant 16 : index
      %get3A_196 = tpu.vector_load %arg8[%get3A_194, %get3A_195] {strides = array<i32>} : memref<1024x32xf32, #tpu.memory_space<vmem>>, vector<16xf32>,
      %mul3A_197 = arith.mulf %get3A_196, %broadcast_in_dim3A_189 : vector<16xf32>
      tpu.vector_store_idx %arg12[%broadcast_in_dim3A_186, %iota3A], %mul3A_197 {add = true} : memref<1024x16xf32, #tpu.memory_space<vmem>>[vector<16xi32>, vector<16xi32>], vector<16xf32>,
      %mul3A_198 = arith.constant 16 : i32
      %mul3A_199 = arith.muli %scan3A_45, %mul3A_198 : i32
      %add3A_200 = arith.constant 8 : i32
      %add3A_201 = arith.addi %mul3A_199, %add3A_200 : i32
      %slice3A_202 = vector.extract_strided_slice %get3A_50 {offsets = [8], sizes = [1], strides = [1]} : vector<16xi32> to vector<1xi32>
      %squeeze3A_203 = vector.extract %slice3A_202[0] : i32 from vector<1xi32>
      %broadcast_in_dim3A_204 = vector.broadcast %squeeze3A_203 : i32 to vector<16xi32>
      %slice3A_205 = vector.extract_strided_slice %get3A_56 {offsets = [8], sizes = [1], strides = [1]} : vector<16xf32> to vector<1xf32>
      %squeeze3A_206 = vector.extract %slice3A_205[0] : f32 from vector<1xf32>
      %broadcast_in_dim3A_207 = vector.broadcast %squeeze3A_206 : f32 to vector<16xf32>
      %get3A_208 = arith.index_cast %add3A_201 : i32 to index
      %get3A_209 = arith.constant 0 : index
      %get3A_210 = tpu.vector_load %arg8[%get3A_208, %get3A_209] {strides = array<i32>} : memref<1024x32xf32, #tpu.memory_space<vmem>>, vector<16xf32>,
      %mul3A_211 = arith.mulf %get3A_210, %broadcast_in_dim3A_207 : vector<16xf32>
      tpu.vector_store_idx %arg11[%broadcast_in_dim3A_204, %iota3A], %mul3A_211 {add = true} : memref<1024x16xf32, #tpu.memory_space<vmem>>[vector<16xi32>, vector<16xi32>], vector<16xf32>,
      %get3A_212 = arith.index_cast %add3A_201 : i32 to index
      %get3A_213 = arith.constant 16 : index
      %get3A_214 = tpu.vector_load %arg8[%get3A_212, %get3A_213] {strides = array<i32>} : memref<1024x32xf32, #tpu.memory_space<vmem>>, vector<16xf32>,
      %mul3A_215 = arith.mulf %get3A_214, %broadcast_in_dim3A_207 : vector<16xf32>
      tpu.vector_store_idx %arg12[%broadcast_in_dim3A_204, %iota3A], %mul3A_215 {add = true} : memref<1024x16xf32, #tpu.memory_space<vmem>>[vector<16xi32>, vector<16xi32>], vector<16xf32>,
      %mul3A_216 = arith.constant 16 : i32
      %mul3A_217 = arith.muli %scan3A_45, %mul3A_216 : i32
      %add3A_218 = arith.constant 9 : i32
      %add3A_219 = arith.addi %mul3A_217, %add3A_218 : i32
      %slice3A_220 = vector.extract_strided_slice %get3A_50 {offsets = [9], sizes = [1], strides = [1]} : vector<16xi32> to vector<1xi32>
      %squeeze3A_221 = vector.extract %slice3A_220[0] : i32 from vector<1xi32>
      %broadcast_in_dim3A_222 = vector.broadcast %squeeze3A_221 : i32 to vector<16xi32>
      %slice3A_223 = vector.extract_strided_slice %get3A_56 {offsets = [9], sizes = [1], strides = [1]} : vector<16xf32> to vector<1xf32>
      %squeeze3A_224 = vector.extract %slice3A_223[0] : f32 from vector<1xf32>
      %broadcast_in_dim3A_225 = vector.broadcast %squeeze3A_224 : f32 to vector<16xf32>
      %get3A_226 = arith.index_cast %add3A_219 : i32 to index
      %get3A_227 = arith.constant 0 : index
      %get3A_228 = tpu.vector_load %arg8[%get3A_226, %get3A_227] {strides = array<i32>} : memref<1024x32xf32, #tpu.memory_space<vmem>>, vector<16xf32>,
      %mul3A_229 = arith.mulf %get3A_228, %broadcast_in_dim3A_225 : vector<16xf32>
      tpu.vector_store_idx %arg11[%broadcast_in_dim3A_222, %iota3A], %mul3A_229 {add = true} : memref<1024x16xf32, #tpu.memory_space<vmem>>[vector<16xi32>, vector<16xi32>], vector<16xf32>,
      %get3A_230 = arith.index_cast %add3A_219 : i32 to index
      %get3A_231 = arith.constant 16 : index
      %get3A_232 = tpu.vector_load %arg8[%get3A_230, %get3A_231] {strides = array<i32>} : memref<1024x32xf32, #tpu.memory_space<vmem>>, vector<16xf32>,
      %mul3A_233 = arith.mulf %get3A_232, %broadcast_in_dim3A_225 : vector<16xf32>
      tpu.vector_store_idx %arg12[%broadcast_in_dim3A_222, %iota3A], %mul3A_233 {add = true} : memref<1024x16xf32, #tpu.memory_space<vmem>>[vector<16xi32>, vector<16xi32>], vector<16xf32>,
      %mul3A_234 = arith.constant 16 : i32
      %mul3A_235 = arith.muli %scan3A_45, %mul3A_234 : i32
      %add3A_236 = arith.constant 10 : i32
      %add3A_237 = arith.addi %mul3A_235, %add3A_236 : i32
      %slice3A_238 = vector.extract_strided_slice %get3A_50 {offsets = [10], sizes = [1], strides = [1]} : vector<16xi32> to vector<1xi32>
      %squeeze3A_239 = vector.extract %slice3A_238[0] : i32 from vector<1xi32>
      %broadcast_in_dim3A_240 = vector.broadcast %squeeze3A_239 : i32 to vector<16xi32>
      %slice3A_241 = vector.extract_strided_slice %get3A_56 {offsets = [10], sizes = [1], strides = [1]} : vector<16xf32> to vector<1xf32>
      %squeeze3A_242 = vector.extract %slice3A_241[0] : f32 from vector<1xf32>
      %broadcast_in_dim3A_243 = vector.broadcast %squeeze3A_242 : f32 to vector<16xf32>
      %get3A_244 = arith.index_cast %add3A_237 : i32 to index
      %get3A_245 = arith.constant 0 : index
      %get3A_246 = tpu.vector_load %arg8[%get3A_244, %get3A_245] {strides = array<i32>} : memref<1024x32xf32, #tpu.memory_space<vmem>>, vector<16xf32>,
      %mul3A_247 = arith.mulf %get3A_246, %broadcast_in_dim3A_243 : vector<16xf32>
      tpu.vector_store_idx %arg11[%broadcast_in_dim3A_240, %iota3A], %mul3A_247 {add = true} : memref<1024x16xf32, #tpu.memory_space<vmem>>[vector<16xi32>, vector<16xi32>], vector<16xf32>,
      %get3A_248 = arith.index_cast %add3A_237 : i32 to index
      %get3A_249 = arith.constant 16 : index
      %get3A_250 = tpu.vector_load %arg8[%get3A_248, %get3A_249] {strides = array<i32>} : memref<1024x32xf32, #tpu.memory_space<vmem>>, vector<16xf32>,
      %mul3A_251 = arith.mulf %get3A_250, %broadcast_in_dim3A_243 : vector<16xf32>
      tpu.vector_store_idx %arg12[%broadcast_in_dim3A_240, %iota3A], %mul3A_251 {add = true} : memref<1024x16xf32, #tpu.memory_space<vmem>>[vector<16xi32>, vector<16xi32>], vector<16xf32>,
      %mul3A_252 = arith.constant 16 : i32
      %mul3A_253 = arith.muli %scan3A_45, %mul3A_252 : i32
      %add3A_254 = arith.constant 11 : i32
      %add3A_255 = arith.addi %mul3A_253, %add3A_254 : i32
      %slice3A_256 = vector.extract_strided_slice %get3A_50 {offsets = [11], sizes = [1], strides = [1]} : vector<16xi32> to vector<1xi32>
      %squeeze3A_257 = vector.extract %slice3A_256[0] : i32 from vector<1xi32>
      %broadcast_in_dim3A_258 = vector.broadcast %squeeze3A_257 : i32 to vector<16xi32>
      %slice3A_259 = vector.extract_strided_slice %get3A_56 {offsets = [11], sizes = [1], strides = [1]} : vector<16xf32> to vector<1xf32>
      %squeeze3A_260 = vector.extract %slice3A_259[0] : f32 from vector<1xf32>
      %broadcast_in_dim3A_261 = vector.broadcast %squeeze3A_260 : f32 to vector<16xf32>
      %get3A_262 = arith.index_cast %add3A_255 : i32 to index
      %get3A_263 = arith.constant 0 : index
      %get3A_264 = tpu.vector_load %arg8[%get3A_262, %get3A_263] {strides = array<i32>} : memref<1024x32xf32, #tpu.memory_space<vmem>>, vector<16xf32>,
      %mul3A_265 = arith.mulf %get3A_264, %broadcast_in_dim3A_261 : vector<16xf32>
      tpu.vector_store_idx %arg11[%broadcast_in_dim3A_258, %iota3A], %mul3A_265 {add = true} : memref<1024x16xf32, #tpu.memory_space<vmem>>[vector<16xi32>, vector<16xi32>], vector<16xf32>,
      %get3A_266 = arith.index_cast %add3A_255 : i32 to index
      %get3A_267 = arith.constant 16 : index
      %get3A_268 = tpu.vector_load %arg8[%get3A_266, %get3A_267] {strides = array<i32>} : memref<1024x32xf32, #tpu.memory_space<vmem>>, vector<16xf32>,
      %mul3A_269 = arith.mulf %get3A_268, %broadcast_in_dim3A_261 : vector<16xf32>
      tpu.vector_store_idx %arg12[%broadcast_in_dim3A_258, %iota3A], %mul3A_269 {add = true} : memref<1024x16xf32, #tpu.memory_space<vmem>>[vector<16xi32>, vector<16xi32>], vector<16xf32>,
      %mul3A_270 = arith.constant 16 : i32
      %mul3A_271 = arith.muli %scan3A_45, %mul3A_270 : i32
      %add3A_272 = arith.constant 12 : i32
      %add3A_273 = arith.addi %mul3A_271, %add3A_272 : i32
      %slice3A_274 = vector.extract_strided_slice %get3A_50 {offsets = [12], sizes = [1], strides = [1]} : vector<16xi32> to vector<1xi32>
      %squeeze3A_275 = vector.extract %slice3A_274[0] : i32 from vector<1xi32>
      %broadcast_in_dim3A_276 = vector.broadcast %squeeze3A_275 : i32 to vector<16xi32>
      %slice3A_277 = vector.extract_strided_slice %get3A_56 {offsets = [12], sizes = [1], strides = [1]} : vector<16xf32> to vector<1xf32>
      %squeeze3A_278 = vector.extract %slice3A_277[0] : f32 from vector<1xf32>
      %broadcast_in_dim3A_279 = vector.broadcast %squeeze3A_278 : f32 to vector<16xf32>
      %get3A_280 = arith.index_cast %add3A_273 : i32 to index
      %get3A_281 = arith.constant 0 : index
      %get3A_282 = tpu.vector_load %arg8[%get3A_280, %get3A_281] {strides = array<i32>} : memref<1024x32xf32, #tpu.memory_space<vmem>>, vector<16xf32>,
      %mul3A_283 = arith.mulf %get3A_282, %broadcast_in_dim3A_279 : vector<16xf32>
      tpu.vector_store_idx %arg11[%broadcast_in_dim3A_276, %iota3A], %mul3A_283 {add = true} : memref<1024x16xf32, #tpu.memory_space<vmem>>[vector<16xi32>, vector<16xi32>], vector<16xf32>,
      %get3A_284 = arith.index_cast %add3A_273 : i32 to index
      %get3A_285 = arith.constant 16 : index
      %get3A_286 = tpu.vector_load %arg8[%get3A_284, %get3A_285] {strides = array<i32>} : memref<1024x32xf32, #tpu.memory_space<vmem>>, vector<16xf32>,
      %mul3A_287 = arith.mulf %get3A_286, %broadcast_in_dim3A_279 : vector<16xf32>
      tpu.vector_store_idx %arg12[%broadcast_in_dim3A_276, %iota3A], %mul3A_287 {add = true} : memref<1024x16xf32, #tpu.memory_space<vmem>>[vector<16xi32>, vector<16xi32>], vector<16xf32>,
      %mul3A_288 = arith.constant 16 : i32
      %mul3A_289 = arith.muli %scan3A_45, %mul3A_288 : i32
      %add3A_290 = arith.constant 13 : i32
      %add3A_291 = arith.addi %mul3A_289, %add3A_290 : i32
      %slice3A_292 = vector.extract_strided_slice %get3A_50 {offsets = [13], sizes = [1], strides = [1]} : vector<16xi32> to vector<1xi32>
      %squeeze3A_293 = vector.extract %slice3A_292[0] : i32 from vector<1xi32>
      %broadcast_in_dim3A_294 = vector.broadcast %squeeze3A_293 : i32 to vector<16xi32>
      %slice3A_295 = vector.extract_strided_slice %get3A_56 {offsets = [13], sizes = [1], strides = [1]} : vector<16xf32> to vector<1xf32>
      %squeeze3A_296 = vector.extract %slice3A_295[0] : f32 from vector<1xf32>
      %broadcast_in_dim3A_297 = vector.broadcast %squeeze3A_296 : f32 to vector<16xf32>
      %get3A_298 = arith.index_cast %add3A_291 : i32 to index
      %get3A_299 = arith.constant 0 : index
      %get3A_300 = tpu.vector_load %arg8[%get3A_298, %get3A_299] {strides = array<i32>} : memref<1024x32xf32, #tpu.memory_space<vmem>>, vector<16xf32>,
      %mul3A_301 = arith.mulf %get3A_300, %broadcast_in_dim3A_297 : vector<16xf32>
      tpu.vector_store_idx %arg11[%broadcast_in_dim3A_294, %iota3A], %mul3A_301 {add = true} : memref<1024x16xf32, #tpu.memory_space<vmem>>[vector<16xi32>, vector<16xi32>], vector<16xf32>,
      %get3A_302 = arith.index_cast %add3A_291 : i32 to index
      %get3A_303 = arith.constant 16 : index
      %get3A_304 = tpu.vector_load %arg8[%get3A_302, %get3A_303] {strides = array<i32>} : memref<1024x32xf32, #tpu.memory_space<vmem>>, vector<16xf32>,
      %mul3A_305 = arith.mulf %get3A_304, %broadcast_in_dim3A_297 : vector<16xf32>
      tpu.vector_store_idx %arg12[%broadcast_in_dim3A_294, %iota3A], %mul3A_305 {add = true} : memref<1024x16xf32, #tpu.memory_space<vmem>>[vector<16xi32>, vector<16xi32>], vector<16xf32>,
      %mul3A_306 = arith.constant 16 : i32
      %mul3A_307 = arith.muli %scan3A_45, %mul3A_306 : i32
      %add3A_308 = arith.constant 14 : i32
      %add3A_309 = arith.addi %mul3A_307, %add3A_308 : i32
      %slice3A_310 = vector.extract_strided_slice %get3A_50 {offsets = [14], sizes = [1], strides = [1]} : vector<16xi32> to vector<1xi32>
      %squeeze3A_311 = vector.extract %slice3A_310[0] : i32 from vector<1xi32>
      %broadcast_in_dim3A_312 = vector.broadcast %squeeze3A_311 : i32 to vector<16xi32>
      %slice3A_313 = vector.extract_strided_slice %get3A_56 {offsets = [14], sizes = [1], strides = [1]} : vector<16xf32> to vector<1xf32>
      %squeeze3A_314 = vector.extract %slice3A_313[0] : f32 from vector<1xf32>
      %broadcast_in_dim3A_315 = vector.broadcast %squeeze3A_314 : f32 to vector<16xf32>
      %get3A_316 = arith.index_cast %add3A_309 : i32 to index
      %get3A_317 = arith.constant 0 : index
      %get3A_318 = tpu.vector_load %arg8[%get3A_316, %get3A_317] {strides = array<i32>} : memref<1024x32xf32, #tpu.memory_space<vmem>>, vector<16xf32>,
      %mul3A_319 = arith.mulf %get3A_318, %broadcast_in_dim3A_315 : vector<16xf32>
      tpu.vector_store_idx %arg11[%broadcast_in_dim3A_312, %iota3A], %mul3A_319 {add = true} : memref<1024x16xf32, #tpu.memory_space<vmem>>[vector<16xi32>, vector<16xi32>], vector<16xf32>,
      %get3A_320 = arith.index_cast %add3A_309 : i32 to index
      %get3A_321 = arith.constant 16 : index
      %get3A_322 = tpu.vector_load %arg8[%get3A_320, %get3A_321] {strides = array<i32>} : memref<1024x32xf32, #tpu.memory_space<vmem>>, vector<16xf32>,
      %mul3A_323 = arith.mulf %get3A_322, %broadcast_in_dim3A_315 : vector<16xf32>
      tpu.vector_store_idx %arg12[%broadcast_in_dim3A_312, %iota3A], %mul3A_323 {add = true} : memref<1024x16xf32, #tpu.memory_space<vmem>>[vector<16xi32>, vector<16xi32>], vector<16xf32>,
      %mul3A_324 = arith.constant 16 : i32
      %mul3A_325 = arith.muli %scan3A_45, %mul3A_324 : i32
      %add3A_326 = arith.constant 15 : i32
      %add3A_327 = arith.addi %mul3A_325, %add3A_326 : i32
      %slice3A_328 = vector.extract_strided_slice %get3A_50 {offsets = [15], sizes = [1], strides = [1]} : vector<16xi32> to vector<1xi32>
      %squeeze3A_329 = vector.extract %slice3A_328[0] : i32 from vector<1xi32>
      %broadcast_in_dim3A_330 = vector.broadcast %squeeze3A_329 : i32 to vector<16xi32>
      %slice3A_331 = vector.extract_strided_slice %get3A_56 {offsets = [15], sizes = [1], strides = [1]} : vector<16xf32> to vector<1xf32>
      %squeeze3A_332 = vector.extract %slice3A_331[0] : f32 from vector<1xf32>
      %broadcast_in_dim3A_333 = vector.broadcast %squeeze3A_332 : f32 to vector<16xf32>
      %get3A_334 = arith.index_cast %add3A_327 : i32 to index
      %get3A_335 = arith.constant 0 : index
      %get3A_336 = tpu.vector_load %arg8[%get3A_334, %get3A_335] {strides = array<i32>} : memref<1024x32xf32, #tpu.memory_space<vmem>>, vector<16xf32>,
      %mul3A_337 = arith.mulf %get3A_336, %broadcast_in_dim3A_333 : vector<16xf32>
      tpu.vector_store_idx %arg11[%broadcast_in_dim3A_330, %iota3A], %mul3A_337 {add = true} : memref<1024x16xf32, #tpu.memory_space<vmem>>[vector<16xi32>, vector<16xi32>], vector<16xf32>,
      %get3A_338 = arith.index_cast %add3A_327 : i32 to index
      %get3A_339 = arith.constant 16 : index
      %get3A_340 = tpu.vector_load %arg8[%get3A_338, %get3A_339] {strides = array<i32>} : memref<1024x32xf32, #tpu.memory_space<vmem>>, vector<16xf32>,
      %mul3A_341 = arith.mulf %get3A_340, %broadcast_in_dim3A_333 : vector<16xf32>
      tpu.vector_store_idx %arg12[%broadcast_in_dim3A_330, %iota3A], %mul3A_341 {add = true} : memref<1024x16xf32, #tpu.memory_space<vmem>>[vector<16xi32>, vector<16xi32>], vector<16xf32>,
    }
    %scan3A_40 = arith.constant 64 : i32
    %run_scoped3A_41 = arith.constant 0 : i32
    "tpu.region"() ({
      %run_scoped3A_45 = tpu.sem_alloc : memref<!tpu.dma_semaphore, #tpu.memory_space<semaphore_mem>>
      %dma_start3A_46 = arith.constant 0 : i32
      %dma_start3A_47 = tpu.memref_slice %arg6[%run_scoped3A_41, %dma_start3A_46, %mul3A_2] : memref<1x1024x1024xf32, #tpu.memory_space<hbm>> -> memref<1x1024x16xf32, #tpu.memory_space<hbm>>
      %dma_start3A_48 = tpu.memref_squeeze %dma_start3A_47 : memref<1x1024x16xf32, #tpu.memory_space<hbm>> -> memref<1024x16xf32, #tpu.memory_space<hbm>>
      %dma_start3A_49 = arith.constant 0 : i32
      %dma_start3A_50 = tpu.memref_slice %arg6[%run_scoped3A_41, %dma_start3A_49, %mul3A_2] : memref<1x1024x1024xf32, #tpu.memory_space<hbm>> -> memref<1x1024x16xf32, #tpu.memory_space<hbm>>
      %dma_start3A_51 = tpu.memref_squeeze %dma_start3A_50 : memref<1x1024x16xf32, #tpu.memory_space<hbm>> -> memref<1024x16xf32, #tpu.memory_space<hbm>>
      tpu.enqueue_dma source(%arg11 : memref<1024x16xf32, #tpu.memory_space<vmem>>) target(%dma_start3A_51 : memref<1024x16xf32, #tpu.memory_space<hbm>>) target_semaphore(%run_scoped3A_45 : memref<!tpu.dma_semaphore, #tpu.memory_space<semaphore_mem>>)
      %dma_wait3A_52 = arith.constant 0 : i32
      %dma_wait3A_53 = tpu.memref_slice %arg6[%run_scoped3A_41, %dma_wait3A_52, %mul3A_2] : memref<1x1024x1024xf32, #tpu.memory_space<hbm>> -> memref<1x1024x16xf32, #tpu.memory_space<hbm>>
      %dma_wait3A_54 = tpu.memref_squeeze %dma_wait3A_53 : memref<1x1024x16xf32, #tpu.memory_space<hbm>> -> memref<1024x16xf32, #tpu.memory_space<hbm>>
      %dma_wait3A_55 = arith.constant 0 : i32
      %dma_wait3A_56 = tpu.memref_slice %arg6[%run_scoped3A_41, %dma_wait3A_55, %mul3A_2] : memref<1x1024x1024xf32, #tpu.memory_space<hbm>> -> memref<1x1024x16xf32, #tpu.memory_space<hbm>>
      %dma_wait3A_57 = tpu.memref_squeeze %dma_wait3A_56 : memref<1x1024x16xf32, #tpu.memory_space<hbm>> -> memref<1024x16xf32, #tpu.memory_space<hbm>>
      tpu.wait_dma2 semaphore(%run_scoped3A_45 : memref<!tpu.dma_semaphore, #tpu.memory_space<semaphore_mem>>) src(%arg11 : memref<1024x16xf32, #tpu.memory_space<vmem>>) dst(%dma_wait3A_57 : memref<1024x16xf32, #tpu.memory_space<hbm>>)
      tpu.yield
    }) : () -> ()
    %add3A_42 = arith.constant 16 : i32
    %add3A_43 = arith.addi %mul3A_2, %add3A_42 : i32
    %run_scoped3A_44 = arith.constant 0 : i32
    "tpu.region"() ({
      %run_scoped3A_45 = tpu.sem_alloc : memref<!tpu.dma_semaphore, #tpu.memory_space<semaphore_mem>>
      %dma_start3A_46 = arith.constant 0 : i32
      %dma_start3A_47 = tpu.memref_slice %arg6[%run_scoped3A_44, %dma_start3A_46, %add3A_43] : memref<1x1024x1024xf32, #tpu.memory_space<hbm>> -> memref<1x1024x16xf32, #tpu.memory_space<hbm>>
      %dma_start3A_48 = tpu.memref_squeeze %dma_start3A_47 : memref<1x1024x16xf32, #tpu.memory_space<hbm>> -> memref<1024x16xf32, #tpu.memory_space<hbm>>
      %dma_start3A_49 = arith.constant 0 : i32
      %dma_start3A_50 = tpu.memref_slice %arg6[%run_scoped3A_44, %dma_start3A_49, %add3A_43] : memref<1x1024x1024xf32, #tpu.memory_space<hbm>> -> memref<1x1024x16xf32, #tpu.memory_space<hbm>>
      %dma_start3A_51 = tpu.memref_squeeze %dma_start3A_50 : memref<1x1024x16xf32, #tpu.memory_space<hbm>> -> memref<1024x16xf32, #tpu.memory_space<hbm>>
      tpu.enqueue_dma source(%arg12 : memref<1024x16xf32, #tpu.memory_space<vmem>>) target(%dma_start3A_51 : memref<1024x16xf32, #tpu.memory_space<hbm>>) target_semaphore(%run_scoped3A_45 : memref<!tpu.dma_semaphore, #tpu.memory_space<semaphore_mem>>)
      %dma_wait3A_52 = arith.constant 0 : i32
      %dma_wait3A_53 = tpu.memref_slice %arg6[%run_scoped3A_44, %dma_wait3A_52, %add3A_43] : memref<1x1024x1024xf32, #tpu.memory_space<hbm>> -> memref<1x1024x16xf32, #tpu.memory_space<hbm>>
      %dma_wait3A_54 = tpu.memref_squeeze %dma_wait3A_53 : memref<1x1024x16xf32, #tpu.memory_space<hbm>> -> memref<1024x16xf32, #tpu.memory_space<hbm>>
      %dma_wait3A_55 = arith.constant 0 : i32
      %dma_wait3A_56 = tpu.memref_slice %arg6[%run_scoped3A_44, %dma_wait3A_55, %add3A_43] : memref<1x1024x1024xf32, #tpu.memory_space<hbm>> -> memref<1x1024x16xf32, #tpu.memory_space<hbm>>
      %dma_wait3A_57 = tpu.memref_squeeze %dma_wait3A_56 : memref<1x1024x16xf32, #tpu.memory_space<hbm>> -> memref<1024x16xf32, #tpu.memory_space<hbm>>
      tpu.wait_dma2 semaphore(%run_scoped3A_45 : memref<!tpu.dma_semaphore, #tpu.memory_space<semaphore_mem>>) src(%arg12 : memref<1024x16xf32, #tpu.memory_space<vmem>>) dst(%dma_wait3A_57 : memref<1024x16xf32, #tpu.memory_space<hbm>>)
      tpu.yield
    }) : () -> ()
    return
  }
}

module attributes {stable_mosaic.version = 14 : i64} {
  func.func @_wpool_kernel(%arg0: i32, %arg1: i32, %arg2: memref<1x1x1x256xi32, #tpu.memory_space<vmem>>, %arg3: memref<1x1x1x256xf32, #tpu.memory_space<vmem>>, %arg4: memref<1x256x1024xf32, #tpu.memory_space<vmem>>, %arg5: memref<1x1024x1024xf32, #tpu.memory_space<vmem>>) attributes {dimension_semantics = [#tpu.dimension_semantics<arbitrary>, #tpu.dimension_semantics<arbitrary>], iteration_bounds = array<i64: 7, 8>, scalar_prefetch = 0 : i64, scratch_operands = 0 : i64, tpu.core_type = #tpu.core_type<tc>, window_params = [{transform_indices = @transform_0, window_bounds = array<i64: 1, 1, 1, 256>}, {transform_indices = @transform_1, window_bounds = array<i64: 1, 1, 1, 256>}, {transform_indices = @transform_2, window_bounds = array<i64: 1, 256, 1024>}, {transform_indices = @transform_3, window_bounds = array<i64: 1, 1024, 1024>}]} {
    %eq3A = arith.constant 0 : i32
    %eq3A_0 = arith.cmpi eq, %arg1, %eq3A : i32
    %convert_element_type3A = arith.extui %eq3A_0 : i1 to i32
    %cond3A = arith.constant 0 : i32
    %cond3A_1 = arith.cmpi ne, %convert_element_type3A, %cond3A : i32
    scf.if %cond3A_1 {
      %broadcast_in_dim3A_62 = arith.constant 0.000000e+00 : f32
      %broadcast_in_dim3A_63 = vector.broadcast %broadcast_in_dim3A_62 : f32 to vector<1x1024x1024xf32>
      %swap3A_64 = arith.constant 0 : index
      %swap3A_65 = arith.constant 0 : index
      %swap3A_66 = arith.constant 0 : index
      %swap3A_67 = vector.load %arg5[%swap3A_64, %swap3A_65, %swap3A_66] : memref<1x1024x1024xf32, #tpu.memory_space<vmem>>, vector<1x1024x1024xf32>
      tpu.vector_store %arg5[%swap3A_64, %swap3A_65, %swap3A_66], %broadcast_in_dim3A_63 {strides = array<i32>} : memref<1x1024x1024xf32, #tpu.memory_space<vmem>>, vector<1x1024x1024xf32>,
    } else {
    }
    %get3A = arith.constant 0 : index
    %get3A_2 = arith.constant 0 : index
    %get3A_3 = arith.constant 0 : index
    %get3A_4 = arith.constant 0 : index
    %get3A_5 = vector.load %arg2[%get3A, %get3A_2, %get3A_3, %get3A_4] : memref<1x1x1x256xi32, #tpu.memory_space<vmem>>, vector<1x1x1x1xi32>
    %get3A_6 = vector.extract %get3A_5[0, 0, 0, 0] : i32 from vector<1x1x1x1xi32>
    %jit3A = arith.constant 8 : i32
    %div3A = arith.divsi %get3A_6, %jit3A : i32
    %sign3A = arith.constant 0 : i32
    %sign3A_7 = arith.cmpi sgt, %get3A_6, %sign3A : i32
    %sign3A_8 = arith.extui %sign3A_7 : i1 to i32
    %sign3A_9 = arith.constant 0 : i32
    %sign3A_10 = arith.cmpi slt, %get3A_6, %sign3A_9 : i32
    %sign3A_11 = arith.extui %sign3A_10 : i1 to i32
    %sign3A_12 = arith.subi %sign3A_8, %sign3A_11 : i32
    %sign3A_13 = arith.constant 0 : i32
    %sign3A_14 = arith.cmpi sgt, %jit3A, %sign3A_13 : i32
    %sign3A_15 = arith.extui %sign3A_14 : i1 to i32
    %sign3A_16 = arith.constant 0 : i32
    %sign3A_17 = arith.cmpi slt, %jit3A, %sign3A_16 : i32
    %sign3A_18 = arith.extui %sign3A_17 : i1 to i32
    %sign3A_19 = arith.subi %sign3A_15, %sign3A_18 : i32
    %ne3A = arith.cmpi ne, %sign3A_12, %sign3A_19 : i32
    %rem3A = arith.remsi %get3A_6, %jit3A : i32
    %ne3A_20 = arith.constant 0 : i32
    %ne3A_21 = arith.cmpi ne, %rem3A, %ne3A_20 : i32
    %and3A = arith.andi %ne3A, %ne3A_21 : i1
    %sub3A = arith.constant 1 : i32
    %sub3A_22 = arith.subi %div3A, %sub3A : i32
    %select_n3A = arith.select %and3A, %sub3A_22, %div3A : i32
    %mul3A = arith.constant 8 : i32
    %mul3A_23 = arith.muli %select_n3A, %mul3A : i32
    %min3A = arith.constant 752 : i32
    %min3A_24 = arith.minsi %mul3A_23, %min3A : i32
    %multiple_of3A = tpu.assume_multiple %min3A_24, 8 : i32
    %iota3A = tpu.iota {dimensions = array<i32: 0>} : vector<272x1xi32>
    %add3A = vector.broadcast %multiple_of3A : i32 to vector<272x1xi32>
    %add3A_25 = arith.addi %iota3A, %add3A : vector<272x1xi32>
    %get3A_26 = arith.constant 0 : index
    %get3A_27 = arith.constant 0 : index
    %get3A_28 = arith.constant 0 : index
    %get3A_29 = arith.constant 0 : index
    %get3A_30 = vector.load %arg2[%get3A_26, %get3A_27, %get3A_28, %get3A_29] : memref<1x1x1x256xi32, #tpu.memory_space<vmem>>, vector<1x1x1x256xi32>
    %get3A_31 = vector.shape_cast %get3A_30 : vector<1x1x1x256xi32> to vector<1x256xi32>
    %eq3A_32 = vector.broadcast %get3A_31 : vector<1x256xi32> to vector<272x256xi32>
    %eq3A_33 = vector.broadcast %add3A_25 : vector<272x1xi32> to vector<272x256xi32>
    %eq3A_34 = arith.cmpi eq, %eq3A_32, %eq3A_33 : vector<272x256xi32>
    %get3A_35 = arith.constant 0 : index
    %get3A_36 = arith.constant 0 : index
    %get3A_37 = arith.constant 0 : index
    %get3A_38 = arith.constant 0 : index
    %get3A_39 = vector.load %arg3[%get3A_35, %get3A_36, %get3A_37, %get3A_38] : memref<1x1x1x256xf32, #tpu.memory_space<vmem>>, vector<1x1x1x256xf32>
    %get3A_40 = vector.shape_cast %get3A_39 : vector<1x1x1x256xf32> to vector<1x256xf32>
    %jit3A_41 = arith.constant 0.000000e+00 : f32
    %broadcast_in_dim3A = vector.shape_cast %get3A_40 : vector<1x256xf32> to vector<1x256xf32>
    %broadcast_in_dim3A_42 = vector.broadcast %broadcast_in_dim3A : vector<1x256xf32> to vector<272x256xf32>
    %broadcast_in_dim3A_43 = vector.broadcast %jit3A_41 : f32 to vector<272x256xf32>
    %select_n3A_44 = arith.select %eq3A_34, %broadcast_in_dim3A_42, %broadcast_in_dim3A_43 : vector<272x256xi1>, vector<272x256xf32>
    %get3A_45 = arith.constant 0 : index
    %get3A_46 = arith.constant 0 : index
    %get3A_47 = arith.constant 0 : index
    %get3A_48 = vector.load %arg4[%get3A_45, %get3A_46, %get3A_47] : memref<1x256x1024xf32, #tpu.memory_space<vmem>>, vector<1x256x1024xf32>
    %get3A_49 = vector.shape_cast %get3A_48 : vector<1x256x1024xf32> to vector<256x1024xf32>
    %dot_general3A = arith.constant dense<0.000000e+00> : vector<272x1024xf32>
    %dot_general3A_50 = tpu.matmul %select_n3A_44, %get3A_49, %dot_general3A {dimension_numbers = #tpu.dot_dimension_numbers<[1], [0], [0], [1], [0, 0, 1, 1], [], []>, transpose_lhs_hint = false} : vector<272x256xf32>, vector<256x1024xf32>, vector<272x1024xf32> -> vector<272x1024xf32>
    %get3A_51 = arith.constant 0 : index
    %get3A_52 = arith.index_cast %multiple_of3A : i32 to index
    %get3A_53 = arith.constant 0 : index
    %get3A_54 = vector.load %arg5[%get3A_51, %get3A_52, %get3A_53] : memref<1x1024x1024xf32, #tpu.memory_space<vmem>>, vector<1x272x1024xf32>
    %get3A_55 = vector.shape_cast %get3A_54 : vector<1x272x1024xf32> to vector<272x1024xf32>
    %add3A_56 = arith.addf %get3A_55, %dot_general3A_50 : vector<272x1024xf32>
    %swap3A = arith.constant 0 : index
    %swap3A_57 = arith.index_cast %multiple_of3A : i32 to index
    %swap3A_58 = arith.constant 0 : index
    %swap3A_59 = vector.load %arg5[%swap3A, %swap3A_57, %swap3A_58] : memref<1x1024x1024xf32, #tpu.memory_space<vmem>>, vector<1x272x1024xf32>
    %swap3A_60 = vector.shape_cast %swap3A_59 : vector<1x272x1024xf32> to vector<272x1024xf32>
    %swap3A_61 = vector.shape_cast %add3A_56 : vector<272x1024xf32> to vector<1x272x1024xf32>
    tpu.vector_store %arg5[%swap3A, %swap3A_57, %swap3A_58], %swap3A_61 {strides = array<i32>} : memref<1x1024x1024xf32, #tpu.memory_space<vmem>>, vector<1x272x1024xf32>,
    return
  }
  func.func @transform_0(%arg0: i32, %arg1: i32) -> (i32, i32, i32, i32) {
    %c0_i32 = arith.constant 0 : i32
    %c0_i32_0 = arith.constant 0 : i32
    %c0_i32_1 = arith.constant 0 : i32
    return %arg0, %arg1, %c0_i32, %c0_i32_0 : i32, i32, i32, i32
  }
  func.func @transform_1(%arg0: i32, %arg1: i32) -> (i32, i32, i32, i32) {
    %c0_i32 = arith.constant 0 : i32
    %c0_i32_0 = arith.constant 0 : i32
    %c0_i32_1 = arith.constant 0 : i32
    return %arg0, %arg1, %c0_i32, %c0_i32_0 : i32, i32, i32, i32
  }
  func.func @transform_2(%arg0: i32, %arg1: i32) -> (i32, i32, i32) {
    %c0_i32 = arith.constant 0 : i32
    %c0_i32_0 = arith.constant 0 : i32
    return %arg0, %arg1, %c0_i32 : i32, i32, i32
  }
  func.func @transform_3(%arg0: i32, %arg1: i32) -> (i32, i32, i32) {
    %c0_i32 = arith.constant 0 : i32
    %c0_i32_0 = arith.constant 0 : i32
    %c0_i32_1 = arith.constant 0 : i32
    return %arg0, %c0_i32, %c0_i32_0 : i32, i32, i32
  }
}

</mosaic_0001>

<sc_bundles>
// kernel: kernel.4.cloned.1.call-start
scs
__scs_entry_jumppad:
0x0: {  	(pc) =	sbr.rel $0x88, $3  }
0x1: {  	(tag) =	ssettag $0x0;
	lr =	simm.s32 $0x1  }
0x2: {  	[smem:$0x3F9E] =	sst lr;
	_ =	strace $0xD0000000  }
0x3: {  	_ = 	snop  }
0x4: {  	_ = 	snop  }
0x5: {  	_ = 	snop  }
0x6: {  	_ = 	snop  }
0x7: {  	_ = 	snop  }
__scs_overlays_trampoline_lowered:
0x8: {  	[smem:$0x3FAD] =	sst s0  }
0x9: {  	[smem:$0x3FAE] =	sst s1  }
0xa: {  	[smem:$0x3FAF] =	sst s2  }
0xb: {  	[smem:$0x3FB0] =	sst s3  }
0xc: {  	[smem:$0x3FB1] =	sst s4  }
0xd: {  	[smem:$0x3FB2] =	sst s5  }
0xe: {  	[smem:$0x3FB3] =	sst s6  }
0xf: {  	[smem:$0x3FB4] =	sst s7  }
0x10: {  	[smem:$0x3FB5] =	sst s8  }
0x11: {  	[smem:$0x3FB6] =	sst s9;
	s0 =	simm.s32 @!p0 $0x0  }
0x12: {  	s1 =	sld [smem:$0x3F9C];
	s0 =	simm.s32 @p0 $0x1  }
0x13: {  	[smem:$0x3FB7] =	sst s0;
	s0 =	simm.s32 @!p1 $0x0  }
0x14: {  	s2 =	sld [smem:$0x3F9B];
	s0 =	simm.s32 @p1 $0x1  }
0x15: {  	[smem:$0x3FB8] =	sst s0;
	s0 =	simm.s32 @!p2 $0x0  }
0x16: {  	s3 =	sld [smem:$0x3FDB];
	s0 =	simm.s32 @p2 $0x1  }
0x17: {  	s4 =	simm.s32 $0x1BF5;
	[smem:$0x3FBA] =	sst s0  }
0x18: {  	s0 =	sld [smem:$0x3F9D];
	_ =	swait.ge [sflag:s4], $0x0  }
0x19: {  	s7 =	sld [smem:$0x3F9E]  }
0x1a: {  	s8 =	sadd.s32 $0xFFFFE003, lr  }
0x1b: {  	s9 =	sadd.s32 $0xFFFFFEF7, lr;
	s5 =	simm.s32 $0xFFFFFFFF;
	p2 =	slt.u32 s8, $0xFFFFF086  }
0x1c: {  	p1 =	slt.u32 s9, $0xF7A;
	s5 =	simm.s32 @!p2 $0x0  }
0x1d: {  	s5 =	simm.s32 @p1 $0x1;
	p0 =	seq.s32 s7, s2  }
0x1e: {  	s7 =	smul.u32 @!p0 $0xF7A, s2;
	p2 =	seq.s32 @!p0 s5, $0x0  }
0x1f: {  	s9 =	smul.u32 $0xF7A, s1;
	s8 =	simm.s32 @!p0 $0x1BF5;
	p2 =	por !p2, p0  }
0x20: {  	[sflag:s8] =	ssyncset.s32 @!p0 $0xFFFFF086;
	s6 =	sadd.s32 @!p0 s3, s7;
	s7 =	simm.s32 @!p0 $0x108  }
0x21: {  	s3 =	sadd.s32 s3, s9;
	s6 =	sadd.s32 @!p0 $0x88, s6;
	s7 =	simm.s32 @p2 $0x1082  }
0x22: {  	[simem:s7], [sflag:s8] =	dma.local @!p0 [hbm:s6], $0xF7A  }
0x23: {  	s9 =	sor.u32 $0xD0000000, s2;
	s6 =	simm.s32 $0x108;
	_ =	swait.ge @!p0 [sflag:s8], $0x0  }
0x24: {  	s3 =	sadd.s32 $0x88, s3;
	s6 =	simm.s32 @!p1 $0x1082;
	[sflag:s4] =	ssyncset.s32 $0xFFFFF086  }
0x25: {  	[simem:s6], [sflag:s4] =	dma.local [hbm:s3], $0xF7A  }
0x26: {  	[smem:$0x3F9E] =	sst s1;
	(tag) =	ssettag s2;
	_ =	strace s9  }
0x27: {  	s1 =	sld [smem:$0x3FAE]  }
0x28: {  	s2 =	sld [smem:$0x3FAF]  }
0x29: {  	s4 =	sld [smem:$0x3FB1]  }
0x2a: {  	p0 =	seq.s32 s5, $0x0;
	s5 =	sld [smem:$0x3FB2]  }
0x2b: {  	s6 =	sld [smem:$0x3FB3]  }
0x2c: {  	s7 =	sld [smem:$0x3FB4]  }
0x2d: {  	s3 =	simm.s32 $0x108;
	s8 =	sld [smem:$0x3FB5]  }
0x2e: {  	s3 =	simm.s32 @!p0 $0x1082;
	s9 =	sld [smem:$0x3FB6]  }
0x2f: {  	lr =	sadd.s32 s0, s3;
	s0 =	sld [smem:$0x3FAD]  }
0x30: {  	s3 =	sld [smem:$0x3FB0]  }
0x31: {  	[smem:$0x3FB9] =	sst s10  }
0x32: {  	s10 =	sld [smem:$0x3FB7];
	_ =	sdelay $0x3  }
0x33: {  	p0 =	seq.s32 s10, $0x1;
	s10 =	sld [smem:$0x3FB9];
	_ =	sdelay $0x3  }
0x34: {  	[smem:$0x3FB9] =	sst s10  }
0x35: {  	s10 =	sld [smem:$0x3FB8];
	_ =	sdelay $0x3  }
0x36: {  	p1 =	seq.s32 s10, $0x1;
	s10 =	sld [smem:$0x3FB9];
	_ =	sdelay $0x3  }
0x37: {  	[smem:$0x3FB9] =	sst s10  }
0x38: {  	s10 =	sld [smem:$0x3FBA]  }
0x39: {  	_ = 	snop;
	(pc) =	sbr.ind lr, $3  }
0x3a: {  	_ = 	snop  }
0x3b: {  	_ = 	snop  }
0x3c: {  	p2 =	seq.s32 s10, $0x1;
	s10 =	sld [smem:$0x3FB9]  }
0x3d: {  	_ =	shalt  }
0x3e: {  	_ =	shalt  }
0x3f: {  	_ =	shalt  }
0x40: {  	_ =	shalt  }
0x41: {  	_ =	shalt  }
0x42: {  	_ =	shalt  }
0x43: {  	_ =	shalt  }
0x44: {  	_ =	shalt  }
0x45: {  	_ =	shalt  }
0x46: {  	_ =	shalt  }
0x47: {  	_ =	shalt  }
0x48: {  	_ =	shalt  }
0x49: {  	_ =	shalt  }
0x4a: {  	_ =	shalt  }
0x4b: {  	_ =	shalt  }
0x4c: {  	_ =	shalt  }
0x4d: {  	_ =	shalt  }
0x4e: {  	_ =	shalt  }
0x4f: {  	_ =	shalt  }
0x50: {  	_ =	shalt  }
0x51: {  	_ =	shalt  }
0x52: {  	_ =	shalt  }
0x53: {  	_ =	shalt  }
0x54: {  	_ =	shalt  }
0x55: {  	_ =	shalt  }
0x56: {  	_ =	shalt  }
0x57: {  	_ =	shalt  }
0x58: {  	_ =	shalt  }
0x59: {  	_ =	shalt  }
0x5a: {  	_ =	shalt  }
0x5b: {  	_ =	shalt  }
0x5c: {  	_ =	shalt  }
0x5d: {  	_ =	shalt  }
0x5e: {  	_ =	shalt  }
0x5f: {  	_ =	shalt  }
0x60: {  	_ =	shalt  }
0x61: {  	_ =	shalt  }
0x62: {  	_ =	shalt  }
0x63: {  	_ =	shalt  }
0x64: {  	_ =	shalt  }
0x65: {  	_ =	shalt  }
0x66: {  	_ =	shalt  }
0x67: {  	_ =	shalt  }
0x68: {  	_ =	shalt  }
0x69: {  	_ =	shalt  }
0x6a: {  	_ =	shalt  }
0x6b: {  	_ =	shalt  }
0x6c: {  	_ =	shalt  }
0x6d: {  	_ =	shalt  }
0x6e: {  	_ =	shalt  }
0x6f: {  	_ =	shalt  }
0x70: {  	_ =	shalt  }
0x71: {  	_ =	shalt  }
0x72: {  	_ =	shalt  }
0x73: {  	_ =	shalt  }
0x74: {  	_ =	shalt  }
0x75: {  	_ =	shalt  }
0x76: {  	_ =	shalt  }
0x77: {  	_ =	shalt  }
0x78: {  	_ =	shalt  }
0x79: {  	_ =	shalt  }
0x7a: {  	_ =	shalt  }
0x7b: {  	_ =	shalt  }
0x7c: {  	_ =	shalt  }
0x7d: {  	_ =	shalt  }
0x7e: {  	_ =	shalt  }
0x7f: {  	_ =	shalt  }
0x80: {  	_ =	shalt  }
0x81: {  	_ =	shalt  }
0x82: {  	_ =	shalt  }
0x83: {  	_ =	shalt  }
0x84: {  	_ =	shalt  }
0x85: {  	_ =	shalt  }
0x86: {  	_ =	shalt  }
0x87: {  	_ =	shalt  }
.Lfunc_end0:
.L_simem_size_0:
called_computation_lowered:
.L_overlay_start_0:
0x88: {  	s2 =	sld [smem:$0x3FD9]  }
0x89: {  	s3 =	sld [smem:$0x3FFE];
	_ =	sdelay $0x1  }
0x8a: {  	s1 =	srdreg.scid  }
0x8b: {  	s0 =	sand.u32 $0x1, s1  }
0x8c: {  	s17 =	sshll.u32 s0, $0xA;
	s2 =	sadd.s32 s3, s2  }
0x8d: {  	s2 =	sadd.s32 s2, s17  }
0x8e: {  	[smem:$0x3FC5] =	sst s2  }
0x8f: {  	_ = 	snop  }
0x90: {  	s2 =	sld [smem:$0x3FD0];
	(tm) =	ssettm $0x1  }
0x91: {  	s18 =	sld [smem:$0x3FFB];
	_ =	sdelay $0x3  }
0x92: {  	_ =	strace s18  }
0x93: {  	s3 =	sld [smem:$0x3FFC];
	_ =	sdelay $0x3  }
0x94: {  	_ =	strace s3  }
0x95: {  	s3 =	sld [smem:$0x3FFD];
	_ =	sdelay $0x3  }
0x96: {  	_ =	strace s3  }
0x97: {  	_ =	strace $0x8FFFFFFF  }
0x98: {  	s19 =	sld [smem:$0x3FDB];
	_ =	sdelay $0x1  }
0x99: {  	s4 =	simm.s32 $_scs_section_size  }
0x9a: {  	s5 =	simm.s32 $_size__tile_overlayer_lowered;
	s6 =	simm.s32 $_tile_overlayer_lowered  }
0x9b: {  	s22 =	simm.s32 $0x1BFF;
	s21 =	sshll.u32 s6, $0x1;
	s3 =	sadd.s32 s4, s19  }
0x9c: {  	s7 =	simm.s32 $0x0;
	s20 =	sshll.u32 s5, $0x1;
	s5 =	sadd.s32 s21, s3  }
0x9d: {  	[timem:s7], [sflag:s22] =	dma.local [hbm:s5], s20  }
0x9e: {  	_ =	swait.ge [sflag:s22], s20  }
0x9f: {  	s4 =	ssub.s32 $0x0, s20;
	[sflag:s22] =	ssyncset.done $0x0  }
0xa0: {  	[sflag:s22] =	ssyncadd.s32 s4;
	_ =	sdelay $0x1  }
0xa1: {  	s23 =	simm.s32 $0x1B8B  }
0xa2: {  	_ =	swait.ge [sflag:s23], $0x1  }
0xa3: {  	[sflag:s23] =	ssyncset.done $0x0  }
0xa4: {  	s25 =	simm.s32 $0x1B8E;
	s24 =	sld [smem:$0x3FFE];
	[sflag:s23] =	ssyncadd.s32 $0xFFFFFFFF  }
0xa5: {  	s26 =	simm.s32 $execute0_lowered;
	[smem:$0x3FD2] =	sst s25  }
0xa6: {  	s5 =	sshll.u32 s26, $0x1;
	_ =	strace $0x80000046;
	[dreg:$0x1] =	wrdreg $0xFFFFFFFF  }
0xa7: {  	s28 =	simm.s32 $_size_execute0_lowered;
	s3 =	sadd.s32 s3, s5;
	[dreg:$0x0] =	wrdreg $0x0  }
0xa8: {  	s5 =	sshll.u32 s28, $0x1;
	[dreg:$0x2] =	wrdreg s3  }
0xa9: {  	[dreg:$0x3] =	wrdreg s5  }
0xaa: {  	[dreg:$0x4] =	wrdreg $0xC0  }
0xab: {  	_ =	task [dreg:s7], $0x5FFFF  }
0xac: {  	[dreg:$0x1] =	wrdreg $0xFFFFFFFF  }
0xad: {  	[dreg:$0x0] =	wrdreg $0x60  }
0xae: {  	[dreg:$0x2] =	wrdreg s2  }
0xaf: {  	[dreg:$0x3] =	wrdreg s24  }
0xb0: {  	[dreg:$0x4] =	wrdreg $0x9  }
0xb1: {  	_ =	task.clear_ibuf [dreg:s7], $0x5FFFF;
	_ =	strace $0x90000046  }
0xb2: {  	s29 =	simm.s32 $0x9;
	_ =	strace $0x80000048  }
0xb3: {  	_ =	swait.ge [sflag:s29], $0x1  }
0xb4: {  	[sflag:s29] =	ssyncadd.s32 $0xFFFFFFFF  }
0xb5: {  	_ =	strace $0x90000048  }
0xb6: {  	_ =	sfence  }
0xb7: {  	s30 =	sld [smem:$0x0];
	_ =	sdelay $0x2  }
0xb8: {  	s31 =	sshll.u32 s1, $0xD;
	s1 =	sshrl.u32 s1, $0x2  }
0xb9: {  	s3 =	sand.u32 $0x4000, s31;
	s1 =	sadd.s32 s1, s30  }
0xba: {  	s0 =	sor.u32 s3, s0;
	s1 =	sshll.u32 s1, $0x11  }
0xbb: {  	s0 =	sor.u32 s1, s0  }
0xbc: {  	s0 =	sadd.s32 $0x8F2B, s0  }
0xbd: {  	[sflag:s0] =	ssyncadd.remote.s32 $0x1  }
0xbe: {  	_ =	sfence.sel $0xFFFF  }
0xbf: {  	[dreg:$0x0] =	wrdreg $0xFFFFFFFF;
	(pc) =	sbr.abs _section_cstart, $3  }
0xc0: {  	[dreg:$0x1] =	wrdreg $0xFFFFFFFF  }
0xc1: {  	_ =	task.clear_ibuf [dreg:s7], $0x2FFFF;
	_ =	strace $0x9FFFFFFF  }
0xc2: {  	(tm) =	ssettm $0x7FFFFFFF  }
0xc3: {  	_ =	shalt  }
tec
execute0_lowered:
.L_overlay_start_1:
0x0: {  	(tag) =	ssettag $0x1  }
0x1: {  	s6 =	rddreg [dreg:$0x0]  }
0x2: {  	s1 =	rddreg [dreg:$0x1]  }
0x3: {  	s0 =	rddreg [dreg:$0x2];
	s2 =	simm.s32 $0x0  }
0x4: {  	s5 =	srdreg.scid;
	s3 =	stileid.u32;
	s12 =	simm.s32 $0x400  }
0x5: {  	s13 =	simm.s32 $0x11000;
	s14 =	simm.s32 $0x2;
	s15 =	simm.s32 $0x15000  }
0x6: {  	s16 =	simm.s32 $0x10000;
	s17 =	simm.s32 $0x10800;
	s18 =	simm.s32 $0x8000  }
0x7: {  	s19 =	simm.s32 $0x1;
	s20 =	simm.s32 $0x10;
	s21 =	simm.s32 $0x0  }
0x8: {  	[smem:$0x7FF] =	sst s2;
	s4 =	sadd.s32 $0x200, s1;
	s5 =	sand.u32 $0x1, s5  }
0x9: {  	s7 =	sshll.u32 s3, $0x3;
	_ =	strace $0x80000047;
	s8 =	sshll.u32 s5, $0x2  }
0xa: {  	s9 =	ssub.s32 $0x2, s5;
	s5 =	sadd.s32 $0x400, s1;
	s7 =	sor.u32 s8, s7  }
0xb: {  	s31 =	sshrl.u32 s9, $0x1;
	s10 =	sadd.s32 s7, s1;
	s6 =	sadd.s32 s6, s7  }
0xc: {  	s11 =	ssub.s32 s9, s31;
	s7 =	sadd.s32 $0x20000, s6;
	s8 =	sadd.s32 $0xC00, s10  }
0xd: {  	v0 =	vlaneseq.u32;
	s9 =	sadd.s32 $0xC02, s10;
	s10 =	smax.u32 s11, $0x1;
	s11 =	simm.s32 $0x20  }
.LBB2_1:
0xe: {  	[tilespmem:s2], [sflag:$0x1] =	stream.strided.gather [hbm4b:s6+s11], $0x8000, s12, s11, $0x38;
	[tilespmem:$0x19000] =	vst v63  }
0xf: {  	_ = 	snop  }
0x10: {  	[tilespmem:s13], [sflag:$0x2] =	stream.linear.gather [hbm4b:s5+s2], $0x4000, $0x38;
	[tilespmem:$0x19000] =	vst v63  }
0x11: {  	_ =	swait.ge [sflag:s14], $0x4000  }
0x12: {  	[sflag:s14] =	ssyncset.done $0x0  }
0x13: {  	[sflag:s14] =	ssyncadd.s32 $0xFFFFC000  }
0x14: {  	[tilespmem:s15], [sflag:$0x2] =	stream.linear.gather [hbm4b:s5+s2], $0x4000, $0x38;
	[tilespmem:$0x19000] =	vst v63  }
0x15: {  	_ =	swait.ge [sflag:s14], $0x4000  }
0x16: {  	[sflag:s14] =	ssyncset.done $0x0  }
0x17: {  	[sflag:s14] =	ssyncadd.s32 $0xFFFFC000  }
0x18: {  	[tilespmem:s16], [sflag:$0x2] =	stream.linear.gather [hbm4b:s4+s2], $0x800, $0x38;
	[tilespmem:$0x19000] =	vst v63  }
0x19: {  	_ =	swait.ge [sflag:s14], $0x800  }
0x1a: {  	[sflag:s14] =	ssyncset.done $0x0  }
0x1b: {  	[sflag:s14] =	ssyncadd.s32 $0xFFFFF800  }
0x1c: {  	[tilespmem:s17], [sflag:$0x2] =	stream.linear.gather [hbm4b:s1+s2], $0x800, $0x38;
	[tilespmem:$0x19000] =	vst v63  }
0x1d: {  	_ =	swait.ge [sflag:s14], $0x800  }
0x1e: {  	[sflag:s14] =	ssyncset.done $0x0  }
0x1f: {  	[sflag:s14] =	ssyncadd.s32 $0xFFFFF800  }
0x20: {  	[tilespmem:s18], [sflag:$0x1] =	stream.strided.gather [hbm4b:s7+s11], $0x8000, s12, s11, $0x38;
	[tilespmem:$0x19000] =	vst v63  }
0x21: {  	_ =	swait.ge [sflag:s19], $0x8000  }
0x22: {  	[sflag:s19] =	ssyncset.done $0x0  }
0x23: {  	s22 =	simm.s32 $0x0;
	[sflag:s19] =	ssyncadd.s32 $0xFFFF8000  }
0x24: {  	v2 =	vld [tilespmem:s22+$0x10000];
	_ =	sdelay $0x3  }
0x25: {  	v1 =	vld [tilespmem:s22+$0x10800]  }
0x26: {  	s22 =	simm.s32 $0x100;
	v2 =	vshll.u32 v2, $0x4  }
0x27: {  	v3 =	vld [tilespmem:s22+$0xFFFFFF00];
	v4 =	vbroadcast v2, $0x0;
	_ =	sdelay $0x1  }
0x28: {  	v4 =	vor.u32 v0, v4  }
0x29: {  	v5 =	vbroadcast v1, $0x0;
	_ =	sdelay $0x1  }
0x2a: {  	v3 =	vmul.f32 v5, v3;
	_ =	sdelay $0x1  }
0x2b: {  	[tilespmem:v4+s13+$0x0] =	vst.idx.add.f32.msk $0xffff, v3  }
0x2c: {  	v3 =	vld [tilespmem:s22+$0xFFFFFF10];
	_ =	sdelay $0x4  }
0x2d: {  	v3 =	vmul.f32 v3, v5;
	_ =	sdelay $0x1  }
0x2e: {  	[tilespmem:v4+s15+$0x0] =	vst.idx.add.f32.msk $0xffff, v3  }
0x2f: {  	v3 =	vbroadcast v2, $0x1;
	v4 =	vld [tilespmem:s22+$0xFFFFFF20];
	_ =	sdelay $0x1  }
0x30: {  	v3 =	vor.u32 v0, v3  }
0x31: {  	v50 =	vbroadcast v1, $0x1;
	_ =	sdelay $0x1  }
0x32: {  	v4 =	vmul.f32 v4, v50;
	_ =	sdelay $0x1  }
0x33: {  	[tilespmem:v3+s13+$0x0] =	vst.idx.add.f32.msk $0xffff, v4  }
0x34: {  	v4 =	vld [tilespmem:s22+$0xFFFFFF30];
	_ =	sdelay $0x4  }
0x35: {  	v4 =	vmul.f32 v4, v50;
	_ =	sdelay $0x1  }
0x36: {  	[tilespmem:v3+s15+$0x0] =	vst.idx.add.f32.msk $0xffff, v4  }
0x37: {  	v3 =	vbroadcast v2, $0x2;
	v4 =	vld [tilespmem:s22+$0xFFFFFF40];
	_ =	sdelay $0x1  }
0x38: {  	v3 =	vor.u32 v0, v3  }
0x39: {  	v51 =	vbroadcast v1, $0x2;
	_ =	sdelay $0x1  }
0x3a: {  	v4 =	vmul.f32 v4, v51;
	_ =	sdelay $0x1  }
0x3b: {  	[tilespmem:v3+s13+$0x0] =	vst.idx.add.f32.msk $0xffff, v4  }
0x3c: {  	v4 =	vld [tilespmem:s22+$0xFFFFFF50];
	_ =	sdelay $0x4  }
0x3d: {  	v4 =	vmul.f32 v4, v51;
	_ =	sdelay $0x1  }
0x3e: {  	[tilespmem:v3+s15+$0x0] =	vst.idx.add.f32.msk $0xffff, v4  }
0x3f: {  	v3 =	vbroadcast v2, $0x3;
	v4 =	vld [tilespmem:s22+$0xFFFFFF60];
	_ =	sdelay $0x1  }
0x40: {  	v3 =	vor.u32 v0, v3  }
0x41: {  	v52 =	vbroadcast v1, $0x3;
	_ =	sdelay $0x1  }
0x42: {  	v4 =	vmul.f32 v4, v52;
	_ =	sdelay $0x1  }
0x43: {  	[tilespmem:v3+s13+$0x0] =	vst.idx.add.f32.msk $0xffff, v4  }
0x44: {  	v4 =	vld [tilespmem:s22+$0xFFFFFF70];
	_ =	sdelay $0x4  }
0x45: {  	v4 =	vmul.f32 v4, v52;
	_ =	sdelay $0x1  }
0x46: {  	[tilespmem:v3+s15+$0x0] =	vst.idx.add.f32.msk $0xffff, v4  }
0x47: {  	v3 =	vbroadcast v2, $0x4;
	v4 =	vld [tilespmem:s22+$0xFFFFFF80];
	_ =	sdelay $0x1  }
0x48: {  	v3 =	vor.u32 v0, v3  }
0x49: {  	v53 =	vbroadcast v1, $0x4;
	_ =	sdelay $0x1  }
0x4a: {  	v4 =	vmul.f32 v4, v53;
	_ =	sdelay $0x1  }
0x4b: {  	[tilespmem:v3+s13+$0x0] =	vst.idx.add.f32.msk $0xffff, v4  }
0x4c: {  	v4 =	vld [tilespmem:s22+$0xFFFFFF90];
	_ =	sdelay $0x4  }
0x4d: {  	v4 =	vmul.f32 v4, v53;
	_ =	sdelay $0x1  }
0x4e: {  	[tilespmem:v3+s15+$0x0] =	vst.idx.add.f32.msk $0xffff, v4  }
0x4f: {  	v3 =	vbroadcast v2, $0x5;
	v4 =	vld [tilespmem:s22+$0xFFFFFFA0];
	_ =	sdelay $0x1  }
0x50: {  	v3 =	vor.u32 v0, v3  }
0x51: {  	v54 =	vbroadcast v1, $0x5;
	_ =	sdelay $0x1  }
0x52: {  	v4 =	vmul.f32 v4, v54;
	_ =	sdelay $0x1  }
0x53: {  	[tilespmem:v3+s13+$0x0] =	vst.idx.add.f32.msk $0xffff, v4  }
0x54: {  	v4 =	vld [tilespmem:s22+$0xFFFFFFB0];
	_ =	sdelay $0x4  }
0x55: {  	v4 =	vmul.f32 v4, v54;
	_ =	sdelay $0x1  }
0x56: {  	[tilespmem:v3+s15+$0x0] =	vst.idx.add.f32.msk $0xffff, v4  }
0x57: {  	v3 =	vbroadcast v2, $0x6;
	v4 =	vld [tilespmem:s22+$0xFFFFFFC0];
	_ =	sdelay $0x1  }
0x58: {  	v3 =	vor.u32 v0, v3  }
0x59: {  	v55 =	vbroadcast v1, $0x6;
	_ =	sdelay $0x1  }
0x5a: {  	v4 =	vmul.f32 v4, v55;
	_ =	sdelay $0x1  }
0x5b: {  	[tilespmem:v3+s13+$0x0] =	vst.idx.add.f32.msk $0xffff, v4  }
0x5c: {  	v4 =	vld [tilespmem:s22+$0xFFFFFFD0];
	_ =	sdelay $0x4  }
0x5d: {  	v4 =	vmul.f32 v4, v55;
	_ =	sdelay $0x1  }
0x5e: {  	[tilespmem:v3+s15+$0x0] =	vst.idx.add.f32.msk $0xffff, v4  }
0x5f: {  	v3 =	vbroadcast v2, $0x7;
	v4 =	vld [tilespmem:s22+$0xFFFFFFE0];
	_ =	sdelay $0x1  }
0x60: {  	v3 =	vor.u32 v0, v3  }
0x61: {  	v56 =	vbroadcast v1, $0x7;
	_ =	sdelay $0x1  }
0x62: {  	v4 =	vmul.f32 v4, v56;
	_ =	sdelay $0x1  }
0x63: {  	[tilespmem:v3+s13+$0x0] =	vst.idx.add.f32.msk $0xffff, v4  }
0x64: {  	v4 =	vld [tilespmem:s22+$0xFFFFFFF0];
	_ =	sdelay $0x4  }
0x65: {  	v4 =	vmul.f32 v4, v56;
	_ =	sdelay $0x1  }
0x66: {  	[tilespmem:v3+s15+$0x0] =	vst.idx.add.f32.msk $0xffff, v4  }
0x67: {  	v3 =	vbroadcast v2, $0x8;
	v4 =	vld [tilespmem:s22+$0x0];
	_ =	sdelay $0x1  }
0x68: {  	v3 =	vor.u32 v0, v3  }
0x69: {  	v57 =	vbroadcast v1, $0x8;
	_ =	sdelay $0x1  }
0x6a: {  	v4 =	vmul.f32 v4, v57;
	_ =	sdelay $0x1  }
0x6b: {  	[tilespmem:v3+s13+$0x0] =	vst.idx.add.f32.msk $0xffff, v4  }
0x6c: {  	v4 =	vld [tilespmem:s22+$0x10];
	_ =	sdelay $0x4  }
0x6d: {  	v4 =	vmul.f32 v4, v57;
	_ =	sdelay $0x1  }
0x6e: {  	[tilespmem:v3+s15+$0x0] =	vst.idx.add.f32.msk $0xffff, v4  }
0x6f: {  	v3 =	vbroadcast v2, $0x9;
	v4 =	vld [tilespmem:s22+$0x20];
	_ =	sdelay $0x1  }
0x70: {  	v3 =	vor.u32 v0, v3  }
0x71: {  	v58 =	vbroadcast v1, $0x9;
	_ =	sdelay $0x1  }
0x72: {  	v4 =	vmul.f32 v4, v58;
	_ =	sdelay $0x1  }
0x73: {  	[tilespmem:v3+s13+$0x0] =	vst.idx.add.f32.msk $0xffff, v4  }
0x74: {  	v4 =	vld [tilespmem:s22+$0x30];
	_ =	sdelay $0x4  }
0x75: {  	v4 =	vmul.f32 v4, v58;
	_ =	sdelay $0x1  }
0x76: {  	[tilespmem:v3+s15+$0x0] =	vst.idx.add.f32.msk $0xffff, v4  }
0x77: {  	v3 =	vbroadcast v2, $0xA;
	v4 =	vld [tilespmem:s22+$0x40];
	_ =	sdelay $0x1  }
0x78: {  	v3 =	vor.u32 v0, v3  }
0x79: {  	v59 =	vbroadcast v1, $0xA;
	_ =	sdelay $0x1  }
0x7a: {  	v4 =	vmul.f32 v4, v59;
	_ =	sdelay $0x1  }
0x7b: {  	[tilespmem:v3+s13+$0x0] =	vst.idx.add.f32.msk $0xffff, v4  }
0x7c: {  	v4 =	vld [tilespmem:s22+$0x50];
	_ =	sdelay $0x4  }
0x7d: {  	v4 =	vmul.f32 v4, v59;
	_ =	sdelay $0x1  }
0x7e: {  	[tilespmem:v3+s15+$0x0] =	vst.idx.add.f32.msk $0xffff, v4  }
0x7f: {  	v3 =	vbroadcast v2, $0xB;
	v4 =	vld [tilespmem:s22+$0x60];
	_ =	sdelay $0x1  }
0x80: {  	v3 =	vor.u32 v0, v3  }
0x81: {  	v60 =	vbroadcast v1, $0xB;
	_ =	sdelay $0x1  }
0x82: {  	v4 =	vmul.f32 v4, v60;
	_ =	sdelay $0x1  }
0x83: {  	[tilespmem:v3+s13+$0x0] =	vst.idx.add.f32.msk $0xffff, v4  }
0x84: {  	v4 =	vld [tilespmem:s22+$0x70];
	_ =	sdelay $0x4  }
0x85: {  	v4 =	vmul.f32 v4, v60;
	_ =	sdelay $0x1  }
0x86: {  	[tilespmem:v3+s15+$0x0] =	vst.idx.add.f32.msk $0xffff, v4  }
0x87: {  	v3 =	vbroadcast v2, $0xC;
	v4 =	vld [tilespmem:s22+$0x80];
	_ =	sdelay $0x1  }
0x88: {  	v3 =	vor.u32 v0, v3  }
0x89: {  	v61 =	vbroadcast v1, $0xC;
	_ =	sdelay $0x1  }
0x8a: {  	v4 =	vmul.f32 v4, v61;
	_ =	sdelay $0x1  }
0x8b: {  	[tilespmem:v3+s13+$0x0] =	vst.idx.add.f32.msk $0xffff, v4  }
0x8c: {  	v4 =	vld [tilespmem:s22+$0x90];
	_ =	sdelay $0x4  }
0x8d: {  	v4 =	vmul.f32 v4, v61;
	_ =	sdelay $0x1  }
0x8e: {  	[tilespmem:v3+s15+$0x0] =	vst.idx.add.f32.msk $0xffff, v4  }
0x8f: {  	v3 =	vbroadcast v2, $0xD;
	v4 =	vld [tilespmem:s22+$0xA0];
	_ =	sdelay $0x1  }
0x90: {  	v3 =	vor.u32 v0, v3  }
0x91: {  	v62 =	vbroadcast v1, $0xD;
	_ =	sdelay $0x1  }
0x92: {  	v4 =	vmul.f32 v4, v62;
	_ =	sdelay $0x1  }
0x93: {  	[tilespmem:v3+s13+$0x0] =	vst.idx.add.f32.msk $0xffff, v4  }
0x94: {  	v4 =	vld [tilespmem:s22+$0xB0];
	_ =	sdelay $0x4  }
0x95: {  	v4 =	vmul.f32 v4, v62;
	_ =	sdelay $0x1  }
0x96: {  	[tilespmem:v3+s15+$0x0] =	vst.idx.add.f32.msk $0xffff, v4  }
0x97: {  	v3 =	vbroadcast v2, $0xE;
	v4 =	vld [tilespmem:s22+$0xC0];
	_ =	sdelay $0x1  }
0x98: {  	v3 =	vor.u32 v0, v3  }
0x99: {  	v63 =	vbroadcast v1, $0xE;
	_ =	sdelay $0x1  }
0x9a: {  	v4 =	vmul.f32 v4, v63;
	_ =	sdelay $0x1  }
0x9b: {  	[tilespmem:v3+s13+$0x0] =	vst.idx.add.f32.msk $0xffff, v4  }
0x9c: {  	v4 =	vld [tilespmem:s22+$0xD0];
	_ =	sdelay $0x4  }
0x9d: {  	v4 =	vmul.f32 v4, v63;
	_ =	sdelay $0x1  }
0x9e: {  	[tilespmem:v3+s15+$0x0] =	vst.idx.add.f32.msk $0xffff, v4  }
0x9f: {  	v2 =	vbroadcast v2, $0xF;
	v3 =	vld [tilespmem:s22+$0xE0];
	_ =	sdelay $0x1  }
0xa0: {  	v2 =	vor.u32 v0, v2  }
0xa1: {  	v1 =	vbroadcast v1, $0xF;
	_ =	sdelay $0x1  }
0xa2: {  	v3 =	vmul.f32 v3, v1;
	_ =	sdelay $0x1  }
0xa3: {  	[tilespmem:v2+s13+$0x0] =	vst.idx.add.f32.msk $0xffff, v3  }
0xa4: {  	v3 =	vld [tilespmem:s22+$0xF0];
	_ =	sdelay $0x4  }
0xa5: {  	s23 =	simm.s32 $0x40;
	s25 =	simm.s32 $0x80;
	v1 =	vmul.f32 v3, v1  }
.LBB2_2:
0xa6: {  	s26 =	sshra.s32 s23, $0x2  }
0xa7: {  	s22 =	sadd.s32 $0x200, s22;
	s23 =	smov.u32 s25;
	s24 =	sadd.s32 $0x40, s25;
	[tilespmem:v2+s15+$0x0] =	vst.idx.add.f32.msk $0xffff, v1  }
0xa8: {  	p0 =	sne.s32 s25, $0xFC0;
	v2 =	vld [tilespmem:s26+$0x10000];
	_ =	sdelay $0x3  }
0xa9: {  	v1 =	vld [tilespmem:s26+$0x10800]  }
0xaa: {  	v2 =	vshll.u32 v2, $0x4  }
0xab: {  	v3 =	vld [tilespmem:s22+$0xFFFFFF00];
	v4 =	vbroadcast v2, $0x0;
	v13 =	vbroadcast v2, $0x1  }
0xac: {  	v14 =	vbroadcast v2, $0x2;
	v15 =	vbroadcast v2, $0x3  }
0xad: {  	v17 =	vbroadcast v2, $0x4;
	v12 =	vbroadcast v2, $0x5;
	v16 =	vor.u32 v0, v4  }
0xae: {  	v11 =	vbroadcast v2, $0x6;
	v18 =	vbroadcast v1, $0x0  }
0xaf: {  	v10 =	vbroadcast v2, $0x7;
	v9 =	vbroadcast v2, $0x8  }
0xb0: {  	v8 =	vbroadcast v2, $0x9;
	v3 =	vmul.f32 v18, v3  }
0xb1: {  	v7 =	vbroadcast v2, $0xA;
	v6 =	vbroadcast v2, $0xB  }
0xb2: {  	v5 =	vbroadcast v2, $0xC;
	v4 =	vbroadcast v2, $0xD;
	[tilespmem:v16+s13+$0x0] =	vst.idx.add.f32.msk $0xffff, v3  }
0xb3: {  	v3 =	vbroadcast v2, $0xE;
	v2 =	vbroadcast v2, $0xF;
	v19 =	vld [tilespmem:s22+$0xFFFFFF10];
	_ =	sdelay $0x4  }
0xb4: {  	v18 =	vmul.f32 v19, v18;
	_ =	sdelay $0x1  }
0xb5: {  	[tilespmem:v16+s15+$0x0] =	vst.idx.add.f32.msk $0xffff, v18  }
0xb6: {  	v16 =	vld [tilespmem:s22+$0xFFFFFF20];
	_ =	sdelay $0x1  }
0xb7: {  	v13 =	vor.u32 v0, v13  }
0xb8: {  	v18 =	vbroadcast v1, $0x1;
	_ =	sdelay $0x1  }
0xb9: {  	v16 =	vmul.f32 v16, v18;
	_ =	sdelay $0x1  }
0xba: {  	[tilespmem:v13+s13+$0x0] =	vst.idx.add.f32.msk $0xffff, v16  }
0xbb: {  	v16 =	vld [tilespmem:s22+$0xFFFFFF30];
	_ =	sdelay $0x4  }
0xbc: {  	v16 =	vmul.f32 v16, v18;
	_ =	sdelay $0x1  }
0xbd: {  	[tilespmem:v13+s15+$0x0] =	vst.idx.add.f32.msk $0xffff, v16  }
0xbe: {  	v13 =	vld [tilespmem:s22+$0xFFFFFF40];
	_ =	sdelay $0x1  }
0xbf: {  	v14 =	vor.u32 v0, v14  }
0xc0: {  	v16 =	vbroadcast v1, $0x2;
	_ =	sdelay $0x1  }
0xc1: {  	v13 =	vmul.f32 v13, v16;
	_ =	sdelay $0x1  }
0xc2: {  	[tilespmem:v14+s13+$0x0] =	vst.idx.add.f32.msk $0xffff, v13  }
0xc3: {  	v13 =	vld [tilespmem:s22+$0xFFFFFF50];
	_ =	sdelay $0x4  }
0xc4: {  	v13 =	vmul.f32 v13, v16;
	_ =	sdelay $0x1  }
0xc5: {  	[tilespmem:v14+s15+$0x0] =	vst.idx.add.f32.msk $0xffff, v13  }
0xc6: {  	v13 =	vld [tilespmem:s22+$0xFFFFFF60];
	_ =	sdelay $0x1  }
0xc7: {  	v14 =	vor.u32 v0, v15  }
0xc8: {  	v15 =	vbroadcast v1, $0x3;
	_ =	sdelay $0x1  }
0xc9: {  	v13 =	vmul.f32 v13, v15;
	_ =	sdelay $0x1  }
0xca: {  	[tilespmem:v14+s13+$0x0] =	vst.idx.add.f32.msk $0xffff, v13  }
0xcb: {  	v13 =	vld [tilespmem:s22+$0xFFFFFF70];
	_ =	sdelay $0x4  }
0xcc: {  	v13 =	vmul.f32 v13, v15;
	_ =	sdelay $0x1  }
0xcd: {  	[tilespmem:v14+s15+$0x0] =	vst.idx.add.f32.msk $0xffff, v13  }
0xce: {  	v13 =	vld [tilespmem:s22+$0xFFFFFF80];
	_ =	sdelay $0x1  }
0xcf: {  	v14 =	vor.u32 v0, v17  }
0xd0: {  	v15 =	vbroadcast v1, $0x4;
	_ =	sdelay $0x1  }
0xd1: {  	v13 =	vmul.f32 v13, v15;
	_ =	sdelay $0x1  }
0xd2: {  	[tilespmem:v14+s13+$0x0] =	vst.idx.add.f32.msk $0xffff, v13  }
0xd3: {  	v13 =	vld [tilespmem:s22+$0xFFFFFF90];
	_ =	sdelay $0x4  }
0xd4: {  	v13 =	vmul.f32 v13, v15;
	_ =	sdelay $0x1  }
0xd5: {  	[tilespmem:v14+s15+$0x0] =	vst.idx.add.f32.msk $0xffff, v13  }
0xd6: {  	v13 =	vld [tilespmem:s22+$0xFFFFFFA0];
	_ =	sdelay $0x1  }
0xd7: {  	v12 =	vor.u32 v0, v12  }
0xd8: {  	v14 =	vbroadcast v1, $0x5;
	_ =	sdelay $0x1  }
0xd9: {  	v13 =	vmul.f32 v13, v14;
	_ =	sdelay $0x1  }
0xda: {  	[tilespmem:v12+s13+$0x0] =	vst.idx.add.f32.msk $0xffff, v13  }
0xdb: {  	v13 =	vld [tilespmem:s22+$0xFFFFFFB0];
	_ =	sdelay $0x4  }
0xdc: {  	v13 =	vmul.f32 v13, v14;
	_ =	sdelay $0x1  }
0xdd: {  	[tilespmem:v12+s15+$0x0] =	vst.idx.add.f32.msk $0xffff, v13  }
0xde: {  	v12 =	vld [tilespmem:s22+$0xFFFFFFC0];
	_ =	sdelay $0x1  }
0xdf: {  	v11 =	vor.u32 v0, v11  }
0xe0: {  	v13 =	vbroadcast v1, $0x6;
	_ =	sdelay $0x1  }
0xe1: {  	v12 =	vmul.f32 v12, v13;
	_ =	sdelay $0x1  }
0xe2: {  	[tilespmem:v11+s13+$0x0] =	vst.idx.add.f32.msk $0xffff, v12  }
0xe3: {  	v12 =	vld [tilespmem:s22+$0xFFFFFFD0];
	_ =	sdelay $0x4  }
0xe4: {  	v12 =	vmul.f32 v12, v13;
	_ =	sdelay $0x1  }
0xe5: {  	[tilespmem:v11+s15+$0x0] =	vst.idx.add.f32.msk $0xffff, v12  }
0xe6: {  	v11 =	vld [tilespmem:s22+$0xFFFFFFE0];
	_ =	sdelay $0x1  }
0xe7: {  	v10 =	vor.u32 v0, v10  }
0xe8: {  	v12 =	vbroadcast v1, $0x7;
	_ =	sdelay $0x1  }
0xe9: {  	v11 =	vmul.f32 v11, v12;
	_ =	sdelay $0x1  }
0xea: {  	[tilespmem:v10+s13+$0x0] =	vst.idx.add.f32.msk $0xffff, v11  }
0xeb: {  	v11 =	vld [tilespmem:s22+$0xFFFFFFF0];
	_ =	sdelay $0x4  }
0xec: {  	v11 =	vmul.f32 v11, v12;
	_ =	sdelay $0x1  }
0xed: {  	[tilespmem:v10+s15+$0x0] =	vst.idx.add.f32.msk $0xffff, v11  }
0xee: {  	v10 =	vld [tilespmem:s22+$0x0];
	_ =	sdelay $0x1  }
0xef: {  	v9 =	vor.u32 v0, v9  }
0xf0: {  	v11 =	vbroadcast v1, $0x8;
	_ =	sdelay $0x1  }
0xf1: {  	v10 =	vmul.f32 v10, v11;
	_ =	sdelay $0x1  }
0xf2: {  	[tilespmem:v9+s13+$0x0] =	vst.idx.add.f32.msk $0xffff, v10  }
0xf3: {  	v10 =	vld [tilespmem:s22+$0x10];
	_ =	sdelay $0x4  }
0xf4: {  	v10 =	vmul.f32 v10, v11;
	_ =	sdelay $0x1  }
0xf5: {  	[tilespmem:v9+s15+$0x0] =	vst.idx.add.f32.msk $0xffff, v10  }
0xf6: {  	v9 =	vld [tilespmem:s22+$0x20];
	_ =	sdelay $0x1  }
0xf7: {  	v8 =	vor.u32 v0, v8  }
0xf8: {  	v10 =	vbroadcast v1, $0x9;
	_ =	sdelay $0x1  }
0xf9: {  	v9 =	vmul.f32 v9, v10;
	_ =	sdelay $0x1  }
0xfa: {  	[tilespmem:v8+s13+$0x0] =	vst.idx.add.f32.msk $0xffff, v9  }
0xfb: {  	v9 =	vld [tilespmem:s22+$0x30];
	_ =	sdelay $0x4  }
0xfc: {  	v9 =	vmul.f32 v9, v10;
	_ =	sdelay $0x1  }
0xfd: {  	[tilespmem:v8+s15+$0x0] =	vst.idx.add.f32.msk $0xffff, v9  }
0xfe: {  	v8 =	vld [tilespmem:s22+$0x40];
	_ =	sdelay $0x1  }
0xff: {  	v7 =	vor.u32 v0, v7  }
0x100: {  	v9 =	vbroadcast v1, $0xA;
	_ =	sdelay $0x1  }
0x101: {  	v8 =	vmul.f32 v8, v9;
	_ =	sdelay $0x1  }
0x102: {  	[tilespmem:v7+s13+$0x0] =	vst.idx.add.f32.msk $0xffff, v8  }
0x103: {  	v8 =	vld [tilespmem:s22+$0x50];
	_ =	sdelay $0x4  }
0x104: {  	v8 =	vmul.f32 v8, v9;
	_ =	sdelay $0x1  }
0x105: {  	[tilespmem:v7+s15+$0x0] =	vst.idx.add.f32.msk $0xffff, v8  }
0x106: {  	v7 =	vld [tilespmem:s22+$0x60];
	_ =	sdelay $0x1  }
0x107: {  	v6 =	vor.u32 v0, v6  }
0x108: {  	v8 =	vbroadcast v1, $0xB;
	_ =	sdelay $0x1  }
0x109: {  	v7 =	vmul.f32 v7, v8;
	_ =	sdelay $0x1  }
0x10a: {  	[tilespmem:v6+s13+$0x0] =	vst.idx.add.f32.msk $0xffff, v7  }
0x10b: {  	v7 =	vld [tilespmem:s22+$0x70];
	_ =	sdelay $0x4  }
0x10c: {  	v7 =	vmul.f32 v7, v8;
	_ =	sdelay $0x1  }
0x10d: {  	[tilespmem:v6+s15+$0x0] =	vst.idx.add.f32.msk $0xffff, v7  }
0x10e: {  	v6 =	vld [tilespmem:s22+$0x80];
	_ =	sdelay $0x1  }
0x10f: {  	v5 =	vor.u32 v0, v5  }
0x110: {  	v7 =	vbroadcast v1, $0xC;
	_ =	sdelay $0x1  }
0x111: {  	v6 =	vmul.f32 v6, v7;
	_ =	sdelay $0x1  }
0x112: {  	[tilespmem:v5+s13+$0x0] =	vst.idx.add.f32.msk $0xffff, v6  }
0x113: {  	v6 =	vld [tilespmem:s22+$0x90];
	_ =	sdelay $0x4  }
0x114: {  	v6 =	vmul.f32 v6, v7;
	_ =	sdelay $0x1  }
0x115: {  	[tilespmem:v5+s15+$0x0] =	vst.idx.add.f32.msk $0xffff, v6  }
0x116: {  	v5 =	vld [tilespmem:s22+$0xA0];
	_ =	sdelay $0x1  }
0x117: {  	v4 =	vor.u32 v0, v4  }
0x118: {  	v6 =	vbroadcast v1, $0xD;
	_ =	sdelay $0x1  }
0x119: {  	v5 =	vmul.f32 v5, v6;
	_ =	sdelay $0x1  }
0x11a: {  	[tilespmem:v4+s13+$0x0] =	vst.idx.add.f32.msk $0xffff, v5  }
0x11b: {  	v5 =	vld [tilespmem:s22+$0xB0];
	_ =	sdelay $0x4  }
0x11c: {  	v5 =	vmul.f32 v5, v6;
	_ =	sdelay $0x1  }
0x11d: {  	[tilespmem:v4+s15+$0x0] =	vst.idx.add.f32.msk $0xffff, v5  }
0x11e: {  	v4 =	vld [tilespmem:s22+$0xC0];
	_ =	sdelay $0x1  }
0x11f: {  	v3 =	vor.u32 v0, v3  }
0x120: {  	v5 =	vbroadcast v1, $0xE;
	_ =	sdelay $0x1  }
0x121: {  	v4 =	vmul.f32 v4, v5;
	_ =	sdelay $0x1  }
0x122: {  	[tilespmem:v3+s13+$0x0] =	vst.idx.add.f32.msk $0xffff, v4  }
0x123: {  	v4 =	vld [tilespmem:s22+$0xD0];
	_ =	sdelay $0x4  }
0x124: {  	v4 =	vmul.f32 v4, v5;
	_ =	sdelay $0x1  }
0x125: {  	[tilespmem:v3+s15+$0x0] =	vst.idx.add.f32.msk $0xffff, v4  }
0x126: {  	v3 =	vld [tilespmem:s22+$0xE0];
	_ =	sdelay $0x1  }
0x127: {  	v2 =	vor.u32 v0, v2  }
0x128: {  	v1 =	vbroadcast v1, $0xF;
	_ =	sdelay $0x1  }
0x129: {  	v3 =	vmul.f32 v3, v1;
	_ =	sdelay $0x1  }
0x12a: {  	[tilespmem:v2+s13+$0x0] =	vst.idx.add.f32.msk $0xffff, v3  }
0x12b: {  	v3 =	vld [tilespmem:s22+$0xF0]  }
.Ltmp0:
0x12c: {  	(pc) =	sbr.rel @p0 .LBB2_2-.Ltmp0, $2  }
0x12d: {  	_ =	sdelay $0x2  }
0x12e: {  	s25 =	smov.u32 s24;
	v1 =	vmul.f32 v3, v1  }
0x12f: {  	_ =	sdelay $0x3  }
0x130: {  	s23 =	sshra.s32 s23, $0x2;
	[tilespmem:v2+s15+$0x0] =	vst.idx.add.f32.msk $0xffff, v1  }
0x131: {  	v2 =	vld [tilespmem:s23+$0x10000];
	_ =	sdelay $0x3  }
0x132: {  	v1 =	vld [tilespmem:s23+$0x10800]  }
0x133: {  	s22 =	sadd.s32 $0x200, s22;
	v2 =	vshll.u32 v2, $0x4  }
0x134: {  	v3 =	vld [tilespmem:s22+$0xFFFFFF00];
	v4 =	vbroadcast v2, $0x0;
	_ =	sdelay $0x1  }
0x135: {  	v4 =	vor.u32 v0, v4  }
0x136: {  	v5 =	vbroadcast v1, $0x0;
	_ =	sdelay $0x1  }
0x137: {  	v3 =	vmul.f32 v5, v3;
	_ =	sdelay $0x1  }
0x138: {  	[tilespmem:v4+s13+$0x0] =	vst.idx.add.f32.msk $0xffff, v3  }
0x139: {  	v3 =	vld [tilespmem:s22+$0xFFFFFF10];
	_ =	sdelay $0x4  }
0x13a: {  	v3 =	vmul.f32 v3, v5;
	_ =	sdelay $0x1  }
0x13b: {  	[tilespmem:v4+s15+$0x0] =	vst.idx.add.f32.msk $0xffff, v3  }
0x13c: {  	v3 =	vbroadcast v2, $0x1;
	v4 =	vld [tilespmem:s22+$0xFFFFFF20];
	_ =	sdelay $0x1  }
0x13d: {  	v3 =	vor.u32 v0, v3  }
0x13e: {  	v34 =	vbroadcast v1, $0x1;
	_ =	sdelay $0x1  }
0x13f: {  	v4 =	vmul.f32 v4, v34;
	_ =	sdelay $0x1  }
0x140: {  	[tilespmem:v3+s13+$0x0] =	vst.idx.add.f32.msk $0xffff, v4  }
0x141: {  	v4 =	vld [tilespmem:s22+$0xFFFFFF30];
	_ =	sdelay $0x4  }
0x142: {  	v4 =	vmul.f32 v4, v34;
	_ =	sdelay $0x1  }
0x143: {  	[tilespmem:v3+s15+$0x0] =	vst.idx.add.f32.msk $0xffff, v4  }
0x144: {  	v3 =	vbroadcast v2, $0x2;
	v4 =	vld [tilespmem:s22+$0xFFFFFF40];
	_ =	sdelay $0x1  }
0x145: {  	v3 =	vor.u32 v0, v3  }
0x146: {  	v35 =	vbroadcast v1, $0x2;
	_ =	sdelay $0x1  }
0x147: {  	v4 =	vmul.f32 v4, v35;
	_ =	sdelay $0x1  }
0x148: {  	[tilespmem:v3+s13+$0x0] =	vst.idx.add.f32.msk $0xffff, v4  }
0x149: {  	v4 =	vld [tilespmem:s22+$0xFFFFFF50];
	_ =	sdelay $0x4  }
0x14a: {  	v4 =	vmul.f32 v4, v35;
	_ =	sdelay $0x1  }
0x14b: {  	[tilespmem:v3+s15+$0x0] =	vst.idx.add.f32.msk $0xffff, v4  }
0x14c: {  	v3 =	vbroadcast v2, $0x3;
	v4 =	vld [tilespmem:s22+$0xFFFFFF60];
	_ =	sdelay $0x1  }
0x14d: {  	v3 =	vor.u32 v0, v3  }
0x14e: {  	v36 =	vbroadcast v1, $0x3;
	_ =	sdelay $0x1  }
0x14f: {  	v4 =	vmul.f32 v4, v36;
	_ =	sdelay $0x1  }
0x150: {  	[tilespmem:v3+s13+$0x0] =	vst.idx.add.f32.msk $0xffff, v4  }
0x151: {  	v4 =	vld [tilespmem:s22+$0xFFFFFF70];
	_ =	sdelay $0x4  }
0x152: {  	v4 =	vmul.f32 v4, v36;
	_ =	sdelay $0x1  }
0x153: {  	[tilespmem:v3+s15+$0x0] =	vst.idx.add.f32.msk $0xffff, v4  }
0x154: {  	v3 =	vbroadcast v2, $0x4;
	v4 =	vld [tilespmem:s22+$0xFFFFFF80];
	_ =	sdelay $0x1  }
0x155: {  	v3 =	vor.u32 v0, v3  }
0x156: {  	v37 =	vbroadcast v1, $0x4;
	_ =	sdelay $0x1  }
0x157: {  	v4 =	vmul.f32 v4, v37;
	_ =	sdelay $0x1  }
0x158: {  	[tilespmem:v3+s13+$0x0] =	vst.idx.add.f32.msk $0xffff, v4  }
0x159: {  	v4 =	vld [tilespmem:s22+$0xFFFFFF90];
	_ =	sdelay $0x4  }
0x15a: {  	v4 =	vmul.f32 v4, v37;
	_ =	sdelay $0x1  }
0x15b: {  	[tilespmem:v3+s15+$0x0] =	vst.idx.add.f32.msk $0xffff, v4  }
0x15c: {  	v3 =	vbroadcast v2, $0x5;
	v4 =	vld [tilespmem:s22+$0xFFFFFFA0];
	_ =	sdelay $0x1  }
0x15d: {  	v3 =	vor.u32 v0, v3  }
0x15e: {  	v38 =	vbroadcast v1, $0x5;
	_ =	sdelay $0x1  }
0x15f: {  	v4 =	vmul.f32 v4, v38;
	_ =	sdelay $0x1  }
0x160: {  	[tilespmem:v3+s13+$0x0] =	vst.idx.add.f32.msk $0xffff, v4  }
0x161: {  	v4 =	vld [tilespmem:s22+$0xFFFFFFB0];
	_ =	sdelay $0x4  }
0x162: {  	v4 =	vmul.f32 v4, v38;
	_ =	sdelay $0x1  }
0x163: {  	[tilespmem:v3+s15+$0x0] =	vst.idx.add.f32.msk $0xffff, v4  }
0x164: {  	v3 =	vbroadcast v2, $0x6;
	v4 =	vld [tilespmem:s22+$0xFFFFFFC0];
	_ =	sdelay $0x1  }
0x165: {  	v3 =	vor.u32 v0, v3  }
0x166: {  	v39 =	vbroadcast v1, $0x6;
	_ =	sdelay $0x1  }
0x167: {  	v4 =	vmul.f32 v4, v39;
	_ =	sdelay $0x1  }
0x168: {  	[tilespmem:v3+s13+$0x0] =	vst.idx.add.f32.msk $0xffff, v4  }
0x169: {  	v4 =	vld [tilespmem:s22+$0xFFFFFFD0];
	_ =	sdelay $0x4  }
0x16a: {  	v4 =	vmul.f32 v4, v39;
	_ =	sdelay $0x1  }
0x16b: {  	[tilespmem:v3+s15+$0x0] =	vst.idx.add.f32.msk $0xffff, v4  }
0x16c: {  	v3 =	vbroadcast v2, $0x7;
	v4 =	vld [tilespmem:s22+$0xFFFFFFE0];
	_ =	sdelay $0x1  }
0x16d: {  	v3 =	vor.u32 v0, v3  }
0x16e: {  	v40 =	vbroadcast v1, $0x7;
	_ =	sdelay $0x1  }
0x16f: {  	v4 =	vmul.f32 v4, v40;
	_ =	sdelay $0x1  }
0x170: {  	[tilespmem:v3+s13+$0x0] =	vst.idx.add.f32.msk $0xffff, v4  }
0x171: {  	v4 =	vld [tilespmem:s22+$0xFFFFFFF0];
	_ =	sdelay $0x4  }
0x172: {  	v4 =	vmul.f32 v4, v40;
	_ =	sdelay $0x1  }
0x173: {  	[tilespmem:v3+s15+$0x0] =	vst.idx.add.f32.msk $0xffff, v4  }
0x174: {  	v3 =	vbroadcast v2, $0x8;
	v4 =	vld [tilespmem:s22+$0x0];
	_ =	sdelay $0x1  }
0x175: {  	v3 =	vor.u32 v0, v3  }
0x176: {  	v41 =	vbroadcast v1, $0x8;
	_ =	sdelay $0x1  }
0x177: {  	v4 =	vmul.f32 v4, v41;
	_ =	sdelay $0x1  }
0x178: {  	[tilespmem:v3+s13+$0x0] =	vst.idx.add.f32.msk $0xffff, v4  }
0x179: {  	v4 =	vld [tilespmem:s22+$0x10];
	_ =	sdelay $0x4  }
0x17a: {  	v4 =	vmul.f32 v4, v41;
	_ =	sdelay $0x1  }
0x17b: {  	[tilespmem:v3+s15+$0x0] =	vst.idx.add.f32.msk $0xffff, v4  }
0x17c: {  	v3 =	vbroadcast v2, $0x9;
	v4 =	vld [tilespmem:s22+$0x20];
	_ =	sdelay $0x1  }
0x17d: {  	v3 =	vor.u32 v0, v3  }
0x17e: {  	v42 =	vbroadcast v1, $0x9;
	_ =	sdelay $0x1  }
0x17f: {  	v4 =	vmul.f32 v4, v42;
	_ =	sdelay $0x1  }
0x180: {  	[tilespmem:v3+s13+$0x0] =	vst.idx.add.f32.msk $0xffff, v4  }
0x181: {  	v4 =	vld [tilespmem:s22+$0x30];
	_ =	sdelay $0x4  }
0x182: {  	v4 =	vmul.f32 v4, v42;
	_ =	sdelay $0x1  }
0x183: {  	[tilespmem:v3+s15+$0x0] =	vst.idx.add.f32.msk $0xffff, v4  }
0x184: {  	v3 =	vbroadcast v2, $0xA;
	v4 =	vld [tilespmem:s22+$0x40];
	_ =	sdelay $0x1  }
0x185: {  	v3 =	vor.u32 v0, v3  }
0x186: {  	v43 =	vbroadcast v1, $0xA;
	_ =	sdelay $0x1  }
0x187: {  	v4 =	vmul.f32 v4, v43;
	_ =	sdelay $0x1  }
0x188: {  	[tilespmem:v3+s13+$0x0] =	vst.idx.add.f32.msk $0xffff, v4  }
0x189: {  	v4 =	vld [tilespmem:s22+$0x50];
	_ =	sdelay $0x4  }
0x18a: {  	v4 =	vmul.f32 v4, v43;
	_ =	sdelay $0x1  }
0x18b: {  	[tilespmem:v3+s15+$0x0] =	vst.idx.add.f32.msk $0xffff, v4  }
0x18c: {  	v3 =	vbroadcast v2, $0xB;
	v4 =	vld [tilespmem:s22+$0x60];
	_ =	sdelay $0x1  }
0x18d: {  	v3 =	vor.u32 v0, v3  }
0x18e: {  	v44 =	vbroadcast v1, $0xB;
	_ =	sdelay $0x1  }
0x18f: {  	v4 =	vmul.f32 v4, v44;
	_ =	sdelay $0x1  }
0x190: {  	[tilespmem:v3+s13+$0x0] =	vst.idx.add.f32.msk $0xffff, v4  }
0x191: {  	v4 =	vld [tilespmem:s22+$0x70];
	_ =	sdelay $0x4  }
0x192: {  	v4 =	vmul.f32 v4, v44;
	_ =	sdelay $0x1  }
0x193: {  	[tilespmem:v3+s15+$0x0] =	vst.idx.add.f32.msk $0xffff, v4  }
0x194: {  	v3 =	vbroadcast v2, $0xC;
	v4 =	vld [tilespmem:s22+$0x80];
	_ =	sdelay $0x1  }
0x195: {  	v3 =	vor.u32 v0, v3  }
0x196: {  	v45 =	vbroadcast v1, $0xC;
	_ =	sdelay $0x1  }
0x197: {  	v4 =	vmul.f32 v4, v45;
	_ =	sdelay $0x1  }
0x198: {  	[tilespmem:v3+s13+$0x0] =	vst.idx.add.f32.msk $0xffff, v4  }
0x199: {  	v4 =	vld [tilespmem:s22+$0x90];
	_ =	sdelay $0x4  }
0x19a: {  	v4 =	vmul.f32 v4, v45;
	_ =	sdelay $0x1  }
0x19b: {  	[tilespmem:v3+s15+$0x0] =	vst.idx.add.f32.msk $0xffff, v4  }
0x19c: {  	v3 =	vbroadcast v2, $0xD;
	v4 =	vld [tilespmem:s22+$0xA0];
	_ =	sdelay $0x1  }
0x19d: {  	v3 =	vor.u32 v0, v3  }
0x19e: {  	v46 =	vbroadcast v1, $0xD;
	_ =	sdelay $0x1  }
0x19f: {  	v4 =	vmul.f32 v4, v46;
	_ =	sdelay $0x1  }
0x1a0: {  	[tilespmem:v3+s13+$0x0] =	vst.idx.add.f32.msk $0xffff, v4  }
0x1a1: {  	v4 =	vld [tilespmem:s22+$0xB0];
	_ =	sdelay $0x4  }
0x1a2: {  	v4 =	vmul.f32 v4, v46;
	_ =	sdelay $0x1  }
0x1a3: {  	[tilespmem:v3+s15+$0x0] =	vst.idx.add.f32.msk $0xffff, v4  }
0x1a4: {  	v3 =	vbroadcast v2, $0xE;
	v4 =	vld [tilespmem:s22+$0xC0];
	_ =	sdelay $0x1  }
0x1a5: {  	v3 =	vor.u32 v0, v3  }
0x1a6: {  	v47 =	vbroadcast v1, $0xE;
	_ =	sdelay $0x1  }
0x1a7: {  	v4 =	vmul.f32 v4, v47;
	_ =	sdelay $0x1  }
0x1a8: {  	[tilespmem:v3+s13+$0x0] =	vst.idx.add.f32.msk $0xffff, v4  }
0x1a9: {  	v4 =	vld [tilespmem:s22+$0xD0];
	_ =	sdelay $0x4  }
0x1aa: {  	v4 =	vmul.f32 v4, v47;
	_ =	sdelay $0x1  }
0x1ab: {  	[tilespmem:v3+s15+$0x0] =	vst.idx.add.f32.msk $0xffff, v4  }
0x1ac: {  	v2 =	vbroadcast v2, $0xF;
	v3 =	vld [tilespmem:s22+$0xE0];
	_ =	sdelay $0x1  }
0x1ad: {  	v2 =	vor.u32 v0, v2  }
0x1ae: {  	v1 =	vbroadcast v1, $0xF;
	_ =	sdelay $0x1  }
0x1af: {  	v3 =	vmul.f32 v3, v1;
	_ =	sdelay $0x1  }
0x1b0: {  	[tilespmem:v2+s13+$0x0] =	vst.idx.add.f32.msk $0xffff, v3  }
0x1b1: {  	v3 =	vld [tilespmem:s22+$0xF0];
	_ =	sdelay $0x4  }
0x1b2: {  	v1 =	vmul.f32 v3, v1;
	_ =	sdelay $0x1  }
0x1b3: {  	[tilespmem:v2+s15+$0x0] =	vst.idx.add.f32.msk $0xffff, v1  }
0x1b4: {  	_ =	swait.ge [sflag:s19], $0x8000  }
0x1b5: {  	[sflag:s19] =	ssyncset.done $0x0  }
0x1b6: {  	s31 =	simm.s32 $0x0;
	[sflag:s19] =	ssyncadd.s32 $0xFFFF8000  }
0x1b7: {  	v2 =	vld [tilespmem:s31+$0x10400];
	_ =	sdelay $0x3  }
0x1b8: {  	v1 =	vld [tilespmem:s31+$0x10C00]  }
0x1b9: {  	s22 =	simm.s32 $0x8100;
	v2 =	vshll.u32 v2, $0x4  }
0x1ba: {  	v3 =	vld [tilespmem:s22+$0xFFFFFF00];
	v48 =	vbroadcast v2, $0x0;
	_ =	sdelay $0x1  }
0x1bb: {  	v4 =	vor.u32 v0, v48  }
0x1bc: {  	v49 =	vbroadcast v1, $0x0;
	_ =	sdelay $0x1  }
0x1bd: {  	v3 =	vmul.f32 v49, v3;
	_ =	sdelay $0x1  }
0x1be: {  	[tilespmem:v4+s13+$0x0] =	vst.idx.add.f32.msk $0xffff, v3  }
0x1bf: {  	v3 =	vld [tilespmem:s22+$0xFFFFFF10];
	_ =	sdelay $0x4  }
0x1c0: {  	v3 =	vmul.f32 v3, v49;
	_ =	sdelay $0x1  }
0x1c1: {  	[tilespmem:v4+s15+$0x0] =	vst.idx.add.f32.msk $0xffff, v3  }
0x1c2: {  	v3 =	vbroadcast v2, $0x1;
	v4 =	vld [tilespmem:s22+$0xFFFFFF20];
	_ =	sdelay $0x1  }
0x1c3: {  	v3 =	vor.u32 v0, v3  }
0x1c4: {  	v50 =	vbroadcast v1, $0x1;
	_ =	sdelay $0x1  }
0x1c5: {  	v4 =	vmul.f32 v4, v50;
	_ =	sdelay $0x1  }
0x1c6: {  	[tilespmem:v3+s13+$0x0] =	vst.idx.add.f32.msk $0xffff, v4  }
0x1c7: {  	v4 =	vld [tilespmem:s22+$0xFFFFFF30];
	_ =	sdelay $0x4  }
0x1c8: {  	v4 =	vmul.f32 v4, v50;
	_ =	sdelay $0x1  }
0x1c9: {  	[tilespmem:v3+s15+$0x0] =	vst.idx.add.f32.msk $0xffff, v4  }
0x1ca: {  	v3 =	vbroadcast v2, $0x2;
	v4 =	vld [tilespmem:s22+$0xFFFFFF40];
	_ =	sdelay $0x1  }
0x1cb: {  	v3 =	vor.u32 v0, v3  }
0x1cc: {  	v51 =	vbroadcast v1, $0x2;
	_ =	sdelay $0x1  }
0x1cd: {  	v4 =	vmul.f32 v4, v51;
	_ =	sdelay $0x1  }
0x1ce: {  	[tilespmem:v3+s13+$0x0] =	vst.idx.add.f32.msk $0xffff, v4  }
0x1cf: {  	v4 =	vld [tilespmem:s22+$0xFFFFFF50];
	_ =	sdelay $0x4  }
0x1d0: {  	v4 =	vmul.f32 v4, v51;
	_ =	sdelay $0x1  }
0x1d1: {  	[tilespmem:v3+s15+$0x0] =	vst.idx.add.f32.msk $0xffff, v4  }
0x1d2: {  	v3 =	vbroadcast v2, $0x3;
	v4 =	vld [tilespmem:s22+$0xFFFFFF60];
	_ =	sdelay $0x1  }
0x1d3: {  	v3 =	vor.u32 v0, v3  }
0x1d4: {  	v52 =	vbroadcast v1, $0x3;
	_ =	sdelay $0x1  }
0x1d5: {  	v4 =	vmul.f32 v4, v52;
	_ =	sdelay $0x1  }
0x1d6: {  	[tilespmem:v3+s13+$0x0] =	vst.idx.add.f32.msk $0xffff, v4  }
0x1d7: {  	v4 =	vld [tilespmem:s22+$0xFFFFFF70];
	_ =	sdelay $0x4  }
0x1d8: {  	v4 =	vmul.f32 v4, v52;
	_ =	sdelay $0x1  }
0x1d9: {  	[tilespmem:v3+s15+$0x0] =	vst.idx.add.f32.msk $0xffff, v4  }
0x1da: {  	v3 =	vbroadcast v2, $0x4;
	v4 =	vld [tilespmem:s22+$0xFFFFFF80];
	_ =	sdelay $0x1  }
0x1db: {  	v3 =	vor.u32 v0, v3  }
0x1dc: {  	v53 =	vbroadcast v1, $0x4;
	_ =	sdelay $0x1  }
0x1dd: {  	v4 =	vmul.f32 v4, v53;
	_ =	sdelay $0x1  }
0x1de: {  	[tilespmem:v3+s13+$0x0] =	vst.idx.add.f32.msk $0xffff, v4  }
0x1df: {  	v4 =	vld [tilespmem:s22+$0xFFFFFF90];
	_ =	sdelay $0x4  }
0x1e0: {  	v4 =	vmul.f32 v4, v53;
	_ =	sdelay $0x1  }
0x1e1: {  	[tilespmem:v3+s15+$0x0] =	vst.idx.add.f32.msk $0xffff, v4  }
0x1e2: {  	v3 =	vbroadcast v2, $0x5;
	v4 =	vld [tilespmem:s22+$0xFFFFFFA0];
	_ =	sdelay $0x1  }
0x1e3: {  	v3 =	vor.u32 v0, v3  }
0x1e4: {  	v54 =	vbroadcast v1, $0x5;
	_ =	sdelay $0x1  }
0x1e5: {  	v4 =	vmul.f32 v4, v54;
	_ =	sdelay $0x1  }
0x1e6: {  	[tilespmem:v3+s13+$0x0] =	vst.idx.add.f32.msk $0xffff, v4  }
0x1e7: {  	v4 =	vld [tilespmem:s22+$0xFFFFFFB0];
	_ =	sdelay $0x4  }
0x1e8: {  	v4 =	vmul.f32 v4, v54;
	_ =	sdelay $0x1  }
0x1e9: {  	[tilespmem:v3+s15+$0x0] =	vst.idx.add.f32.msk $0xffff, v4  }
0x1ea: {  	v3 =	vbroadcast v2, $0x6;
	v4 =	vld [tilespmem:s22+$0xFFFFFFC0];
	_ =	sdelay $0x1  }
0x1eb: {  	v3 =	vor.u32 v0, v3  }
0x1ec: {  	v55 =	vbroadcast v1, $0x6;
	_ =	sdelay $0x1  }
0x1ed: {  	v4 =	vmul.f32 v4, v55;
	_ =	sdelay $0x1  }
0x1ee: {  	[tilespmem:v3+s13+$0x0] =	vst.idx.add.f32.msk $0xffff, v4  }
0x1ef: {  	v4 =	vld [tilespmem:s22+$0xFFFFFFD0];
	_ =	sdelay $0x4  }
0x1f0: {  	v4 =	vmul.f32 v4, v55;
	_ =	sdelay $0x1  }
0x1f1: {  	[tilespmem:v3+s15+$0x0] =	vst.idx.add.f32.msk $0xffff, v4  }
0x1f2: {  	v3 =	vbroadcast v2, $0x7;
	v4 =	vld [tilespmem:s22+$0xFFFFFFE0];
	_ =	sdelay $0x1  }
0x1f3: {  	v3 =	vor.u32 v0, v3  }
0x1f4: {  	v56 =	vbroadcast v1, $0x7;
	_ =	sdelay $0x1  }
0x1f5: {  	v4 =	vmul.f32 v4, v56;
	_ =	sdelay $0x1  }
0x1f6: {  	[tilespmem:v3+s13+$0x0] =	vst.idx.add.f32.msk $0xffff, v4  }
0x1f7: {  	v4 =	vld [tilespmem:s22+$0xFFFFFFF0];
	_ =	sdelay $0x4  }
0x1f8: {  	v4 =	vmul.f32 v4, v56;
	_ =	sdelay $0x1  }
0x1f9: {  	[tilespmem:v3+s15+$0x0] =	vst.idx.add.f32.msk $0xffff, v4  }
0x1fa: {  	v3 =	vbroadcast v2, $0x8;
	v4 =	vld [tilespmem:s22+$0x0];
	_ =	sdelay $0x1  }
0x1fb: {  	v3 =	vor.u32 v0, v3  }
0x1fc: {  	v57 =	vbroadcast v1, $0x8;
	_ =	sdelay $0x1  }
0x1fd: {  	v4 =	vmul.f32 v4, v57;
	_ =	sdelay $0x1  }
0x1fe: {  	[tilespmem:v3+s13+$0x0] =	vst.idx.add.f32.msk $0xffff, v4  }
0x1ff: {  	v4 =	vld [tilespmem:s22+$0x10];
	_ =	sdelay $0x4  }
0x200: {  	v4 =	vmul.f32 v4, v57;
	_ =	sdelay $0x1  }
0x201: {  	[tilespmem:v3+s15+$0x0] =	vst.idx.add.f32.msk $0xffff, v4  }
0x202: {  	v3 =	vbroadcast v2, $0x9;
	v4 =	vld [tilespmem:s22+$0x20];
	_ =	sdelay $0x1  }
0x203: {  	v3 =	vor.u32 v0, v3  }
0x204: {  	v58 =	vbroadcast v1, $0x9;
	_ =	sdelay $0x1  }
0x205: {  	v4 =	vmul.f32 v4, v58;
	_ =	sdelay $0x1  }
0x206: {  	[tilespmem:v3+s13+$0x0] =	vst.idx.add.f32.msk $0xffff, v4  }
0x207: {  	v4 =	vld [tilespmem:s22+$0x30];
	_ =	sdelay $0x4  }
0x208: {  	v4 =	vmul.f32 v4, v58;
	_ =	sdelay $0x1  }
0x209: {  	[tilespmem:v3+s15+$0x0] =	vst.idx.add.f32.msk $0xffff, v4  }
0x20a: {  	v3 =	vbroadcast v2, $0xA;
	v4 =	vld [tilespmem:s22+$0x40];
	_ =	sdelay $0x1  }
0x20b: {  	v3 =	vor.u32 v0, v3  }
0x20c: {  	v59 =	vbroadcast v1, $0xA;
	_ =	sdelay $0x1  }
0x20d: {  	v4 =	vmul.f32 v4, v59;
	_ =	sdelay $0x1  }
0x20e: {  	[tilespmem:v3+s13+$0x0] =	vst.idx.add.f32.msk $0xffff, v4  }
0x20f: {  	v4 =	vld [tilespmem:s22+$0x50];
	_ =	sdelay $0x4  }
0x210: {  	v4 =	vmul.f32 v4, v59;
	_ =	sdelay $0x1  }
0x211: {  	[tilespmem:v3+s15+$0x0] =	vst.idx.add.f32.msk $0xffff, v4  }
0x212: {  	v3 =	vbroadcast v2, $0xB;
	v4 =	vld [tilespmem:s22+$0x60];
	_ =	sdelay $0x1  }
0x213: {  	v3 =	vor.u32 v0, v3  }
0x214: {  	v60 =	vbroadcast v1, $0xB;
	_ =	sdelay $0x1  }
0x215: {  	v4 =	vmul.f32 v4, v60;
	_ =	sdelay $0x1  }
0x216: {  	[tilespmem:v3+s13+$0x0] =	vst.idx.add.f32.msk $0xffff, v4  }
0x217: {  	v4 =	vld [tilespmem:s22+$0x70];
	_ =	sdelay $0x4  }
0x218: {  	v4 =	vmul.f32 v4, v60;
	_ =	sdelay $0x1  }
0x219: {  	[tilespmem:v3+s15+$0x0] =	vst.idx.add.f32.msk $0xffff, v4  }
0x21a: {  	v3 =	vbroadcast v2, $0xC;
	v4 =	vld [tilespmem:s22+$0x80];
	_ =	sdelay $0x1  }
0x21b: {  	v3 =	vor.u32 v0, v3  }
0x21c: {  	v61 =	vbroadcast v1, $0xC;
	_ =	sdelay $0x1  }
0x21d: {  	v4 =	vmul.f32 v4, v61;
	_ =	sdelay $0x1  }
0x21e: {  	[tilespmem:v3+s13+$0x0] =	vst.idx.add.f32.msk $0xffff, v4  }
0x21f: {  	v4 =	vld [tilespmem:s22+$0x90];
	_ =	sdelay $0x4  }
0x220: {  	v4 =	vmul.f32 v4, v61;
	_ =	sdelay $0x1  }
0x221: {  	[tilespmem:v3+s15+$0x0] =	vst.idx.add.f32.msk $0xffff, v4  }
0x222: {  	v3 =	vbroadcast v2, $0xD;
	v4 =	vld [tilespmem:s22+$0xA0];
	_ =	sdelay $0x1  }
0x223: {  	v3 =	vor.u32 v0, v3  }
0x224: {  	v62 =	vbroadcast v1, $0xD;
	_ =	sdelay $0x1  }
0x225: {  	v4 =	vmul.f32 v4, v62;
	_ =	sdelay $0x1  }
0x226: {  	[tilespmem:v3+s13+$0x0] =	vst.idx.add.f32.msk $0xffff, v4  }
0x227: {  	v4 =	vld [tilespmem:s22+$0xB0];
	_ =	sdelay $0x4  }
0x228: {  	v4 =	vmul.f32 v4, v62;
	_ =	sdelay $0x1  }
0x229: {  	[tilespmem:v3+s15+$0x0] =	vst.idx.add.f32.msk $0xffff, v4  }
0x22a: {  	v3 =	vbroadcast v2, $0xE;
	v4 =	vld [tilespmem:s22+$0xC0];
	_ =	sdelay $0x1  }
0x22b: {  	v3 =	vor.u32 v0, v3  }
0x22c: {  	v63 =	vbroadcast v1, $0xE;
	_ =	sdelay $0x1  }
0x22d: {  	v4 =	vmul.f32 v4, v63;
	_ =	sdelay $0x1  }
0x22e: {  	[tilespmem:v3+s13+$0x0] =	vst.idx.add.f32.msk $0xffff, v4  }
0x22f: {  	v4 =	vld [tilespmem:s22+$0xD0];
	_ =	sdelay $0x4  }
0x230: {  	v4 =	vmul.f32 v4, v63;
	_ =	sdelay $0x1  }
0x231: {  	[tilespmem:v3+s15+$0x0] =	vst.idx.add.f32.msk $0xffff, v4  }
0x232: {  	v2 =	vbroadcast v2, $0xF;
	v3 =	vld [tilespmem:s22+$0xE0];
	_ =	sdelay $0x1  }
0x233: {  	v2 =	vor.u32 v0, v2  }
0x234: {  	v1 =	vbroadcast v1, $0xF;
	_ =	sdelay $0x1  }
0x235: {  	v3 =	vmul.f32 v3, v1;
	_ =	sdelay $0x1  }
0x236: {  	[tilespmem:v2+s13+$0x0] =	vst.idx.add.f32.msk $0xffff, v3  }
0x237: {  	v3 =	vld [tilespmem:s22+$0xF0];
	_ =	sdelay $0x4  }
0x238: {  	s25 =	simm.s32 $0x80;
	s23 =	simm.s32 $0x40;
	v1 =	vmul.f32 v3, v1  }
.LBB2_4:
0x239: {  	s26 =	sshra.s32 s23, $0x2  }
0x23a: {  	s22 =	sadd.s32 $0x200, s22;
	s23 =	smov.u32 s25;
	s24 =	sadd.s32 $0x40, s25;
	[tilespmem:v2+s15+$0x0] =	vst.idx.add.f32.msk $0xffff, v1  }
0x23b: {  	p0 =	sne.s32 s25, $0xFC0;
	v2 =	vld [tilespmem:s26+$0x10400];
	_ =	sdelay $0x3  }
0x23c: {  	v1 =	vld [tilespmem:s26+$0x10C00]  }
0x23d: {  	v2 =	vshll.u32 v2, $0x4  }
0x23e: {  	v3 =	vld [tilespmem:s22+$0xFFFFFF00];
	v4 =	vbroadcast v2, $0x0;
	v13 =	vbroadcast v2, $0x1  }
0x23f: {  	v14 =	vbroadcast v2, $0x2;
	v15 =	vbroadcast v2, $0x3  }
0x240: {  	v17 =	vbroadcast v2, $0x4;
	v12 =	vbroadcast v2, $0x5;
	v16 =	vor.u32 v0, v4  }
0x241: {  	v11 =	vbroadcast v2, $0x6;
	v18 =	vbroadcast v1, $0x0  }
0x242: {  	v10 =	vbroadcast v2, $0x7;
	v9 =	vbroadcast v2, $0x8  }
0x243: {  	v8 =	vbroadcast v2, $0x9;
	v3 =	vmul.f32 v18, v3  }
0x244: {  	v7 =	vbroadcast v2, $0xA;
	v6 =	vbroadcast v2, $0xB  }
0x245: {  	v5 =	vbroadcast v2, $0xC;
	v4 =	vbroadcast v2, $0xD;
	[tilespmem:v16+s13+$0x0] =	vst.idx.add.f32.msk $0xffff, v3  }
0x246: {  	v3 =	vbroadcast v2, $0xE;
	v2 =	vbroadcast v2, $0xF;
	v19 =	vld [tilespmem:s22+$0xFFFFFF10];
	_ =	sdelay $0x4  }
0x247: {  	v18 =	vmul.f32 v19, v18;
	_ =	sdelay $0x1  }
0x248: {  	[tilespmem:v16+s15+$0x0] =	vst.idx.add.f32.msk $0xffff, v18  }
0x249: {  	v16 =	vld [tilespmem:s22+$0xFFFFFF20];
	_ =	sdelay $0x1  }
0x24a: {  	v13 =	vor.u32 v0, v13  }
0x24b: {  	v18 =	vbroadcast v1, $0x1;
	_ =	sdelay $0x1  }
0x24c: {  	v16 =	vmul.f32 v16, v18;
	_ =	sdelay $0x1  }
0x24d: {  	[tilespmem:v13+s13+$0x0] =	vst.idx.add.f32.msk $0xffff, v16  }
0x24e: {  	v16 =	vld [tilespmem:s22+$0xFFFFFF30];
	_ =	sdelay $0x4  }
0x24f: {  	v16 =	vmul.f32 v16, v18;
	_ =	sdelay $0x1  }
0x250: {  	[tilespmem:v13+s15+$0x0] =	vst.idx.add.f32.msk $0xffff, v16  }
0x251: {  	v13 =	vld [tilespmem:s22+$0xFFFFFF40];
	_ =	sdelay $0x1  }
0x252: {  	v14 =	vor.u32 v0, v14  }
0x253: {  	v16 =	vbroadcast v1, $0x2;
	_ =	sdelay $0x1  }
0x254: {  	v13 =	vmul.f32 v13, v16;
	_ =	sdelay $0x1  }
0x255: {  	[tilespmem:v14+s13+$0x0] =	vst.idx.add.f32.msk $0xffff, v13  }
0x256: {  	v13 =	vld [tilespmem:s22+$0xFFFFFF50];
	_ =	sdelay $0x4  }
0x257: {  	v13 =	vmul.f32 v13, v16;
	_ =	sdelay $0x1  }
0x258: {  	[tilespmem:v14+s15+$0x0] =	vst.idx.add.f32.msk $0xffff, v13  }
0x259: {  	v13 =	vld [tilespmem:s22+$0xFFFFFF60];
	_ =	sdelay $0x1  }
0x25a: {  	v14 =	vor.u32 v0, v15  }
0x25b: {  	v15 =	vbroadcast v1, $0x3;
	_ =	sdelay $0x1  }
0x25c: {  	v13 =	vmul.f32 v13, v15;
	_ =	sdelay $0x1  }
0x25d: {  	[tilespmem:v14+s13+$0x0] =	vst.idx.add.f32.msk $0xffff, v13  }
0x25e: {  	v13 =	vld [tilespmem:s22+$0xFFFFFF70];
	_ =	sdelay $0x4  }
0x25f: {  	v13 =	vmul.f32 v13, v15;
	_ =	sdelay $0x1  }
0x260: {  	[tilespmem:v14+s15+$0x0] =	vst.idx.add.f32.msk $0xffff, v13  }
0x261: {  	v13 =	vld [tilespmem:s22+$0xFFFFFF80];
	_ =	sdelay $0x1  }
0x262: {  	v14 =	vor.u32 v0, v17  }
0x263: {  	v15 =	vbroadcast v1, $0x4;
	_ =	sdelay $0x1  }
0x264: {  	v13 =	vmul.f32 v13, v15;
	_ =	sdelay $0x1  }
0x265: {  	[tilespmem:v14+s13+$0x0] =	vst.idx.add.f32.msk $0xffff, v13  }
0x266: {  	v13 =	vld [tilespmem:s22+$0xFFFFFF90];
	_ =	sdelay $0x4  }
0x267: {  	v13 =	vmul.f32 v13, v15;
	_ =	sdelay $0x1  }
0x268: {  	[tilespmem:v14+s15+$0x0] =	vst.idx.add.f32.msk $0xffff, v13  }
0x269: {  	v13 =	vld [tilespmem:s22+$0xFFFFFFA0];
	_ =	sdelay $0x1  }
0x26a: {  	v12 =	vor.u32 v0, v12  }
0x26b: {  	v14 =	vbroadcast v1, $0x5;
	_ =	sdelay $0x1  }
0x26c: {  	v13 =	vmul.f32 v13, v14;
	_ =	sdelay $0x1  }
0x26d: {  	[tilespmem:v12+s13+$0x0] =	vst.idx.add.f32.msk $0xffff, v13  }
0x26e: {  	v13 =	vld [tilespmem:s22+$0xFFFFFFB0];
	_ =	sdelay $0x4  }
0x26f: {  	v13 =	vmul.f32 v13, v14;
	_ =	sdelay $0x1  }
0x270: {  	[tilespmem:v12+s15+$0x0] =	vst.idx.add.f32.msk $0xffff, v13  }
0x271: {  	v12 =	vld [tilespmem:s22+$0xFFFFFFC0];
	_ =	sdelay $0x1  }
0x272: {  	v11 =	vor.u32 v0, v11  }
0x273: {  	v13 =	vbroadcast v1, $0x6;
	_ =	sdelay $0x1  }
0x274: {  	v12 =	vmul.f32 v12, v13;
	_ =	sdelay $0x1  }
0x275: {  	[tilespmem:v11+s13+$0x0] =	vst.idx.add.f32.msk $0xffff, v12  }
0x276: {  	v12 =	vld [tilespmem:s22+$0xFFFFFFD0];
	_ =	sdelay $0x4  }
0x277: {  	v12 =	vmul.f32 v12, v13;
	_ =	sdelay $0x1  }
0x278: {  	[tilespmem:v11+s15+$0x0] =	vst.idx.add.f32.msk $0xffff, v12  }
0x279: {  	v11 =	vld [tilespmem:s22+$0xFFFFFFE0];
	_ =	sdelay $0x1  }
0x27a: {  	v10 =	vor.u32 v0, v10  }
0x27b: {  	v12 =	vbroadcast v1, $0x7;
	_ =	sdelay $0x1  }
0x27c: {  	v11 =	vmul.f32 v11, v12;
	_ =	sdelay $0x1  }
0x27d: {  	[tilespmem:v10+s13+$0x0] =	vst.idx.add.f32.msk $0xffff, v11  }
0x27e: {  	v11 =	vld [tilespmem:s22+$0xFFFFFFF0];
	_ =	sdelay $0x4  }
0x27f: {  	v11 =	vmul.f32 v11, v12;
	_ =	sdelay $0x1  }
0x280: {  	[tilespmem:v10+s15+$0x0] =	vst.idx.add.f32.msk $0xffff, v11  }
0x281: {  	v10 =	vld [tilespmem:s22+$0x0];
	_ =	sdelay $0x1  }
0x282: {  	v9 =	vor.u32 v0, v9  }
0x283: {  	v11 =	vbroadcast v1, $0x8;
	_ =	sdelay $0x1  }
0x284: {  	v10 =	vmul.f32 v10, v11;
	_ =	sdelay $0x1  }
0x285: {  	[tilespmem:v9+s13+$0x0] =	vst.idx.add.f32.msk $0xffff, v10  }
0x286: {  	v10 =	vld [tilespmem:s22+$0x10];
	_ =	sdelay $0x4  }
0x287: {  	v10 =	vmul.f32 v10, v11;
	_ =	sdelay $0x1  }
0x288: {  	[tilespmem:v9+s15+$0x0] =	vst.idx.add.f32.msk $0xffff, v10  }
0x289: {  	v9 =	vld [tilespmem:s22+$0x20];
	_ =	sdelay $0x1  }
0x28a: {  	v8 =	vor.u32 v0, v8  }
0x28b: {  	v10 =	vbroadcast v1, $0x9;
	_ =	sdelay $0x1  }
0x28c: {  	v9 =	vmul.f32 v9, v10;
	_ =	sdelay $0x1  }
0x28d: {  	[tilespmem:v8+s13+$0x0] =	vst.idx.add.f32.msk $0xffff, v9  }
0x28e: {  	v9 =	vld [tilespmem:s22+$0x30];
	_ =	sdelay $0x4  }
0x28f: {  	v9 =	vmul.f32 v9, v10;
	_ =	sdelay $0x1  }
0x290: {  	[tilespmem:v8+s15+$0x0] =	vst.idx.add.f32.msk $0xffff, v9  }
0x291: {  	v8 =	vld [tilespmem:s22+$0x40];
	_ =	sdelay $0x1  }
0x292: {  	v7 =	vor.u32 v0, v7  }
0x293: {  	v9 =	vbroadcast v1, $0xA;
	_ =	sdelay $0x1  }
0x294: {  	v8 =	vmul.f32 v8, v9;
	_ =	sdelay $0x1  }
0x295: {  	[tilespmem:v7+s13+$0x0] =	vst.idx.add.f32.msk $0xffff, v8  }
0x296: {  	v8 =	vld [tilespmem:s22+$0x50];
	_ =	sdelay $0x4  }
0x297: {  	v8 =	vmul.f32 v8, v9;
	_ =	sdelay $0x1  }
0x298: {  	[tilespmem:v7+s15+$0x0] =	vst.idx.add.f32.msk $0xffff, v8  }
0x299: {  	v7 =	vld [tilespmem:s22+$0x60];
	_ =	sdelay $0x1  }
0x29a: {  	v6 =	vor.u32 v0, v6  }
0x29b: {  	v8 =	vbroadcast v1, $0xB;
	_ =	sdelay $0x1  }
0x29c: {  	v7 =	vmul.f32 v7, v8;
	_ =	sdelay $0x1  }
0x29d: {  	[tilespmem:v6+s13+$0x0] =	vst.idx.add.f32.msk $0xffff, v7  }
0x29e: {  	v7 =	vld [tilespmem:s22+$0x70];
	_ =	sdelay $0x4  }
0x29f: {  	v7 =	vmul.f32 v7, v8;
	_ =	sdelay $0x1  }
0x2a0: {  	[tilespmem:v6+s15+$0x0] =	vst.idx.add.f32.msk $0xffff, v7  }
0x2a1: {  	v6 =	vld [tilespmem:s22+$0x80];
	_ =	sdelay $0x1  }
0x2a2: {  	v5 =	vor.u32 v0, v5  }
0x2a3: {  	v7 =	vbroadcast v1, $0xC;
	_ =	sdelay $0x1  }
0x2a4: {  	v6 =	vmul.f32 v6, v7;
	_ =	sdelay $0x1  }
0x2a5: {  	[tilespmem:v5+s13+$0x0] =	vst.idx.add.f32.msk $0xffff, v6  }
0x2a6: {  	v6 =	vld [tilespmem:s22+$0x90];
	_ =	sdelay $0x4  }
0x2a7: {  	v6 =	vmul.f32 v6, v7;
	_ =	sdelay $0x1  }
0x2a8: {  	[tilespmem:v5+s15+$0x0] =	vst.idx.add.f32.msk $0xffff, v6  }
0x2a9: {  	v5 =	vld [tilespmem:s22+$0xA0];
	_ =	sdelay $0x1  }
0x2aa: {  	v4 =	vor.u32 v0, v4  }
0x2ab: {  	v6 =	vbroadcast v1, $0xD;
	_ =	sdelay $0x1  }
0x2ac: {  	v5 =	vmul.f32 v5, v6;
	_ =	sdelay $0x1  }
0x2ad: {  	[tilespmem:v4+s13+$0x0] =	vst.idx.add.f32.msk $0xffff, v5  }
0x2ae: {  	v5 =	vld [tilespmem:s22+$0xB0];
	_ =	sdelay $0x4  }
0x2af: {  	v5 =	vmul.f32 v5, v6;
	_ =	sdelay $0x1  }
0x2b0: {  	[tilespmem:v4+s15+$0x0] =	vst.idx.add.f32.msk $0xffff, v5  }
0x2b1: {  	v4 =	vld [tilespmem:s22+$0xC0];
	_ =	sdelay $0x1  }
0x2b2: {  	v3 =	vor.u32 v0, v3  }
0x2b3: {  	v5 =	vbroadcast v1, $0xE;
	_ =	sdelay $0x1  }
0x2b4: {  	v4 =	vmul.f32 v4, v5;
	_ =	sdelay $0x1  }
0x2b5: {  	[tilespmem:v3+s13+$0x0] =	vst.idx.add.f32.msk $0xffff, v4  }
0x2b6: {  	v4 =	vld [tilespmem:s22+$0xD0];
	_ =	sdelay $0x4  }
0x2b7: {  	v4 =	vmul.f32 v4, v5;
	_ =	sdelay $0x1  }
0x2b8: {  	[tilespmem:v3+s15+$0x0] =	vst.idx.add.f32.msk $0xffff, v4  }
0x2b9: {  	v3 =	vld [tilespmem:s22+$0xE0];
	_ =	sdelay $0x1  }
0x2ba: {  	v2 =	vor.u32 v0, v2  }
0x2bb: {  	v1 =	vbroadcast v1, $0xF;
	_ =	sdelay $0x1  }
0x2bc: {  	v3 =	vmul.f32 v3, v1;
	_ =	sdelay $0x1  }
0x2bd: {  	[tilespmem:v2+s13+$0x0] =	vst.idx.add.f32.msk $0xffff, v3  }
0x2be: {  	v3 =	vld [tilespmem:s22+$0xF0]  }
.Ltmp1:
0x2bf: {  	(pc) =	sbr.rel @p0 .LBB2_4-.Ltmp1, $2  }
0x2c0: {  	_ =	sdelay $0x2  }
0x2c1: {  	s25 =	smov.u32 s24;
	v1 =	vmul.f32 v3, v1  }
0x2c2: {  	_ =	sdelay $0x3  }
0x2c3: {  	s23 =	sshra.s32 s23, $0x2;
	[tilespmem:v2+s15+$0x0] =	vst.idx.add.f32.msk $0xffff, v1  }
0x2c4: {  	v2 =	vld [tilespmem:s23+$0x10400];
	_ =	sdelay $0x3  }
0x2c5: {  	v1 =	vld [tilespmem:s23+$0x10C00]  }
0x2c6: {  	s22 =	sadd.s32 $0x200, s22;
	v2 =	vshll.u32 v2, $0x4  }
0x2c7: {  	v3 =	vld [tilespmem:s22+$0xFFFFFF00];
	v4 =	vbroadcast v2, $0x0;
	_ =	sdelay $0x1  }
0x2c8: {  	v4 =	vor.u32 v0, v4  }
0x2c9: {  	v5 =	vbroadcast v1, $0x0;
	_ =	sdelay $0x1  }
0x2ca: {  	v3 =	vmul.f32 v5, v3;
	_ =	sdelay $0x1  }
0x2cb: {  	[tilespmem:v4+s13+$0x0] =	vst.idx.add.f32.msk $0xffff, v3  }
0x2cc: {  	v3 =	vld [tilespmem:s22+$0xFFFFFF10];
	_ =	sdelay $0x4  }
0x2cd: {  	v3 =	vmul.f32 v3, v5;
	_ =	sdelay $0x1  }
0x2ce: {  	[tilespmem:v4+s15+$0x0] =	vst.idx.add.f32.msk $0xffff, v3  }
0x2cf: {  	v3 =	vbroadcast v2, $0x1;
	v4 =	vld [tilespmem:s22+$0xFFFFFF20];
	_ =	sdelay $0x1  }
0x2d0: {  	v3 =	vor.u32 v0, v3  }
0x2d1: {  	v50 =	vbroadcast v1, $0x1;
	_ =	sdelay $0x1  }
0x2d2: {  	v4 =	vmul.f32 v4, v50;
	_ =	sdelay $0x1  }
0x2d3: {  	[tilespmem:v3+s13+$0x0] =	vst.idx.add.f32.msk $0xffff, v4  }
0x2d4: {  	v4 =	vld [tilespmem:s22+$0xFFFFFF30];
	_ =	sdelay $0x4  }
0x2d5: {  	v4 =	vmul.f32 v4, v50;
	_ =	sdelay $0x1  }
0x2d6: {  	[tilespmem:v3+s15+$0x0] =	vst.idx.add.f32.msk $0xffff, v4  }
0x2d7: {  	v3 =	vbroadcast v2, $0x2;
	v4 =	vld [tilespmem:s22+$0xFFFFFF40];
	_ =	sdelay $0x1  }
0x2d8: {  	v3 =	vor.u32 v0, v3  }
0x2d9: {  	v51 =	vbroadcast v1, $0x2;
	_ =	sdelay $0x1  }
0x2da: {  	v4 =	vmul.f32 v4, v51;
	_ =	sdelay $0x1  }
0x2db: {  	[tilespmem:v3+s13+$0x0] =	vst.idx.add.f32.msk $0xffff, v4  }
0x2dc: {  	v4 =	vld [tilespmem:s22+$0xFFFFFF50];
	_ =	sdelay $0x4  }
0x2dd: {  	v4 =	vmul.f32 v4, v51;
	_ =	sdelay $0x1  }
0x2de: {  	[tilespmem:v3+s15+$0x0] =	vst.idx.add.f32.msk $0xffff, v4  }
0x2df: {  	v3 =	vbroadcast v2, $0x3;
	v4 =	vld [tilespmem:s22+$0xFFFFFF60];
	_ =	sdelay $0x1  }
0x2e0: {  	v3 =	vor.u32 v0, v3  }
0x2e1: {  	v52 =	vbroadcast v1, $0x3;
	_ =	sdelay $0x1  }
0x2e2: {  	v4 =	vmul.f32 v4, v52;
	_ =	sdelay $0x1  }
0x2e3: {  	[tilespmem:v3+s13+$0x0] =	vst.idx.add.f32.msk $0xffff, v4  }
0x2e4: {  	v4 =	vld [tilespmem:s22+$0xFFFFFF70];
	_ =	sdelay $0x4  }
0x2e5: {  	v4 =	vmul.f32 v4, v52;
	_ =	sdelay $0x1  }
0x2e6: {  	[tilespmem:v3+s15+$0x0] =	vst.idx.add.f32.msk $0xffff, v4  }
0x2e7: {  	v3 =	vbroadcast v2, $0x4;
	v4 =	vld [tilespmem:s22+$0xFFFFFF80];
	_ =	sdelay $0x1  }
0x2e8: {  	v3 =	vor.u32 v0, v3  }
0x2e9: {  	v53 =	vbroadcast v1, $0x4;
	_ =	sdelay $0x1  }
0x2ea: {  	v4 =	vmul.f32 v4, v53;
	_ =	sdelay $0x1  }
0x2eb: {  	[tilespmem:v3+s13+$0x0] =	vst.idx.add.f32.msk $0xffff, v4  }
0x2ec: {  	v4 =	vld [tilespmem:s22+$0xFFFFFF90];
	_ =	sdelay $0x4  }
0x2ed: {  	v4 =	vmul.f32 v4, v53;
	_ =	sdelay $0x1  }
0x2ee: {  	[tilespmem:v3+s15+$0x0] =	vst.idx.add.f32.msk $0xffff, v4  }
0x2ef: {  	v3 =	vbroadcast v2, $0x5;
	v4 =	vld [tilespmem:s22+$0xFFFFFFA0];
	_ =	sdelay $0x1  }
0x2f0: {  	v3 =	vor.u32 v0, v3  }
0x2f1: {  	v54 =	vbroadcast v1, $0x5;
	_ =	sdelay $0x1  }
0x2f2: {  	v4 =	vmul.f32 v4, v54;
	_ =	sdelay $0x1  }
0x2f3: {  	[tilespmem:v3+s13+$0x0] =	vst.idx.add.f32.msk $0xffff, v4  }
0x2f4: {  	v4 =	vld [tilespmem:s22+$0xFFFFFFB0];
	_ =	sdelay $0x4  }
0x2f5: {  	v4 =	vmul.f32 v4, v54;
	_ =	sdelay $0x1  }
0x2f6: {  	[tilespmem:v3+s15+$0x0] =	vst.idx.add.f32.msk $0xffff, v4  }
0x2f7: {  	v3 =	vbroadcast v2, $0x6;
	v4 =	vld [tilespmem:s22+$0xFFFFFFC0];
	_ =	sdelay $0x1  }
0x2f8: {  	v3 =	vor.u32 v0, v3  }
0x2f9: {  	v55 =	vbroadcast v1, $0x6;
	_ =	sdelay $0x1  }
0x2fa: {  	v4 =	vmul.f32 v4, v55;
	_ =	sdelay $0x1  }
0x2fb: {  	[tilespmem:v3+s13+$0x0] =	vst.idx.add.f32.msk $0xffff, v4  }
0x2fc: {  	v4 =	vld [tilespmem:s22+$0xFFFFFFD0];
	_ =	sdelay $0x4  }
0x2fd: {  	v4 =	vmul.f32 v4, v55;
	_ =	sdelay $0x1  }
0x2fe: {  	[tilespmem:v3+s15+$0x0] =	vst.idx.add.f32.msk $0xffff, v4  }
0x2ff: {  	v3 =	vbroadcast v2, $0x7;
	v4 =	vld [tilespmem:s22+$0xFFFFFFE0];
	_ =	sdelay $0x1  }
0x300: {  	v3 =	vor.u32 v0, v3  }
0x301: {  	v56 =	vbroadcast v1, $0x7;
	_ =	sdelay $0x1  }
0x302: {  	v4 =	vmul.f32 v4, v56;
	_ =	sdelay $0x1  }
0x303: {  	[tilespmem:v3+s13+$0x0] =	vst.idx.add.f32.msk $0xffff, v4  }
0x304: {  	v4 =	vld [tilespmem:s22+$0xFFFFFFF0];
	_ =	sdelay $0x4  }
0x305: {  	v4 =	vmul.f32 v4, v56;
	_ =	sdelay $0x1  }
0x306: {  	[tilespmem:v3+s15+$0x0] =	vst.idx.add.f32.msk $0xffff, v4  }
0x307: {  	v3 =	vbroadcast v2, $0x8;
	v4 =	vld [tilespmem:s22+$0x0];
	_ =	sdelay $0x1  }
0x308: {  	v3 =	vor.u32 v0, v3  }
0x309: {  	v57 =	vbroadcast v1, $0x8;
	_ =	sdelay $0x1  }
0x30a: {  	v4 =	vmul.f32 v4, v57;
	_ =	sdelay $0x1  }
0x30b: {  	[tilespmem:v3+s13+$0x0] =	vst.idx.add.f32.msk $0xffff, v4  }
0x30c: {  	v4 =	vld [tilespmem:s22+$0x10];
	_ =	sdelay $0x4  }
0x30d: {  	v4 =	vmul.f32 v4, v57;
	_ =	sdelay $0x1  }
0x30e: {  	[tilespmem:v3+s15+$0x0] =	vst.idx.add.f32.msk $0xffff, v4  }
0x30f: {  	v3 =	vbroadcast v2, $0x9;
	v4 =	vld [tilespmem:s22+$0x20];
	_ =	sdelay $0x1  }
0x310: {  	v3 =	vor.u32 v0, v3  }
0x311: {  	v58 =	vbroadcast v1, $0x9;
	_ =	sdelay $0x1  }
0x312: {  	v4 =	vmul.f32 v4, v58;
	_ =	sdelay $0x1  }
0x313: {  	[tilespmem:v3+s13+$0x0] =	vst.idx.add.f32.msk $0xffff, v4  }
0x314: {  	v4 =	vld [tilespmem:s22+$0x30];
	_ =	sdelay $0x4  }
0x315: {  	v4 =	vmul.f32 v4, v58;
	_ =	sdelay $0x1  }
0x316: {  	[tilespmem:v3+s15+$0x0] =	vst.idx.add.f32.msk $0xffff, v4  }
0x317: {  	v3 =	vbroadcast v2, $0xA;
	v4 =	vld [tilespmem:s22+$0x40];
	_ =	sdelay $0x1  }
0x318: {  	v3 =	vor.u32 v0, v3  }
0x319: {  	v59 =	vbroadcast v1, $0xA;
	_ =	sdelay $0x1  }
0x31a: {  	v4 =	vmul.f32 v4, v59;
	_ =	sdelay $0x1  }
0x31b: {  	[tilespmem:v3+s13+$0x0] =	vst.idx.add.f32.msk $0xffff, v4  }
0x31c: {  	v4 =	vld [tilespmem:s22+$0x50];
	_ =	sdelay $0x4  }
0x31d: {  	v4 =	vmul.f32 v4, v59;
	_ =	sdelay $0x1  }
0x31e: {  	[tilespmem:v3+s15+$0x0] =	vst.idx.add.f32.msk $0xffff, v4  }
0x31f: {  	v3 =	vbroadcast v2, $0xB;
	v4 =	vld [tilespmem:s22+$0x60];
	_ =	sdelay $0x1  }
0x320: {  	v3 =	vor.u32 v0, v3  }
0x321: {  	v60 =	vbroadcast v1, $0xB;
	_ =	sdelay $0x1  }
0x322: {  	v4 =	vmul.f32 v4, v60;
	_ =	sdelay $0x1  }
0x323: {  	[tilespmem:v3+s13+$0x0] =	vst.idx.add.f32.msk $0xffff, v4  }
0x324: {  	v4 =	vld [tilespmem:s22+$0x70];
	_ =	sdelay $0x4  }
0x325: {  	v4 =	vmul.f32 v4, v60;
	_ =	sdelay $0x1  }
0x326: {  	[tilespmem:v3+s15+$0x0] =	vst.idx.add.f32.msk $0xffff, v4  }
0x327: {  	v3 =	vbroadcast v2, $0xC;
	v4 =	vld [tilespmem:s22+$0x80];
	_ =	sdelay $0x1  }
0x328: {  	v3 =	vor.u32 v0, v3  }
0x329: {  	v61 =	vbroadcast v1, $0xC;
	_ =	sdelay $0x1  }
0x32a: {  	v4 =	vmul.f32 v4, v61;
	_ =	sdelay $0x1  }
0x32b: {  	[tilespmem:v3+s13+$0x0] =	vst.idx.add.f32.msk $0xffff, v4  }
0x32c: {  	v4 =	vld [tilespmem:s22+$0x90];
	_ =	sdelay $0x4  }
0x32d: {  	v4 =	vmul.f32 v4, v61;
	_ =	sdelay $0x1  }
0x32e: {  	[tilespmem:v3+s15+$0x0] =	vst.idx.add.f32.msk $0xffff, v4  }
0x32f: {  	v3 =	vbroadcast v2, $0xD;
	v4 =	vld [tilespmem:s22+$0xA0];
	_ =	sdelay $0x1  }
0x330: {  	v3 =	vor.u32 v0, v3  }
0x331: {  	v62 =	vbroadcast v1, $0xD;
	_ =	sdelay $0x1  }
0x332: {  	v4 =	vmul.f32 v4, v62;
	_ =	sdelay $0x1  }
0x333: {  	[tilespmem:v3+s13+$0x0] =	vst.idx.add.f32.msk $0xffff, v4  }
0x334: {  	v4 =	vld [tilespmem:s22+$0xB0];
	_ =	sdelay $0x4  }
0x335: {  	v4 =	vmul.f32 v4, v62;
	_ =	sdelay $0x1  }
0x336: {  	[tilespmem:v3+s15+$0x0] =	vst.idx.add.f32.msk $0xffff, v4  }
0x337: {  	v3 =	vbroadcast v2, $0xE;
	v4 =	vld [tilespmem:s22+$0xC0];
	_ =	sdelay $0x1  }
0x338: {  	v3 =	vor.u32 v0, v3  }
0x339: {  	v63 =	vbroadcast v1, $0xE;
	_ =	sdelay $0x1  }
0x33a: {  	v4 =	vmul.f32 v4, v63;
	_ =	sdelay $0x1  }
0x33b: {  	[tilespmem:v3+s13+$0x0] =	vst.idx.add.f32.msk $0xffff, v4  }
0x33c: {  	v4 =	vld [tilespmem:s22+$0xD0];
	_ =	sdelay $0x4  }
0x33d: {  	v4 =	vmul.f32 v4, v63;
	_ =	sdelay $0x1  }
0x33e: {  	[tilespmem:v3+s15+$0x0] =	vst.idx.add.f32.msk $0xffff, v4  }
0x33f: {  	v2 =	vbroadcast v2, $0xF;
	v3 =	vld [tilespmem:s22+$0xE0];
	_ =	sdelay $0x1  }
0x340: {  	v2 =	vor.u32 v0, v2  }
0x341: {  	v1 =	vbroadcast v1, $0xF;
	_ =	sdelay $0x1  }
0x342: {  	v3 =	vmul.f32 v3, v1;
	_ =	sdelay $0x1  }
0x343: {  	[tilespmem:v2+s13+$0x0] =	vst.idx.add.f32.msk $0xffff, v3  }
0x344: {  	v3 =	vld [tilespmem:s22+$0xF0];
	_ =	sdelay $0x4  }
0x345: {  	v1 =	vmul.f32 v3, v1;
	_ =	sdelay $0x1  }
0x346: {  	[tilespmem:v2+s15+$0x0] =	vst.idx.add.f32.msk $0xffff, v1  }
0x347: {  	[hbm4b:s8+s20] =	stream.strided.scatter [tilespmem:s13], [sflag:$0x2], $0x4000, s12, s20, $0x38;
	[tilespmem:$0x19000] =	vst v63  }
0x348: {  	s21 =	sadd.s32 $0x1, s21;
	_ =	swait.ge [sflag:s14], $0x4000  }
0x349: {  	p0 =	sne.s32 s21, s10;
	[sflag:s14] =	ssyncset.done $0x0  }
.Ltmp2:
0x34a: {  	[sflag:s14] =	ssyncadd.s32 $0xFFFFC000;
	(pc) =	sbr.rel @p0 .LBB2_1-.Ltmp2, $4  }
0x34b: {  	[hbm4b:s9+s20] =	stream.strided.scatter [tilespmem:s15], [sflag:$0x2], $0x4000, s12, s20, $0x38;
	[tilespmem:$0x19000] =	vst v63  }
0x34c: {  	_ =	swait.ge [sflag:s14], $0x4000  }
0x34d: {  	[sflag:s14] =	ssyncset.done $0x0  }
0x34e: {  	[sflag:s14] =	ssyncadd.s32 $0xFFFFC000  }
0x34f: {  	_ =	sfence.sel $0x180000  }
0x350: {  	[bflag:$0x0] =	sbarrier.arrive $0xFFFF  }
0x351: {  	p0 =	sne.s32 s3, $0x0;
	_ =	strace $0x90000047  }
0x352: {  	s0 =	sadd.s32 @!p0 $0x100000, s0;
	[bflag:$0x2] =	sbarrier.arrive $0xFFFF  }
0x353: {  	[sflag:s0] =	ssyncadd.tile.s32 @!p0 $0x1;
	_ =	shalt  }
.Lfunc_end2:
_tile_overlayer_lowered:
.L_overlay_start_2:
0x354: {  	(tag) =	ssettag $0x2  }
0x355: {  	s0 =	rddreg [dreg:$0x0];
	s2 =	stileid.u32  }
0x356: {  	s1 =	rddreg [dreg:$0x1];
	p0 =	sne.s32 s2, $0x0  }
0x357: {  	s3 =	rddreg [dreg:$0x2];
	[bflag:$0x3] =	sbarrier.arrive $0xFFFF;
	s2 =	simm.s32 @!p0 $0x1C02  }
0x358: {  	[timem:s3], [sflag:s2] =	dma.local @!p0 [hbm:s0], s1  }
0x359: {  	s0 =	simm.s32 @!p0 $0x2  }
0x35a: {  	_ =	swait.ge @!p0 [sflag:s0], s1  }
0x35b: {  	s1 =	ssub.s32 @!p0 $0x0, s1;
	[sflag:s0] =	ssyncset.done @!p0 $0x0  }
0x35c: {  	[sflag:s0] =	ssyncadd.s32 @!p0 s1  }
0x35d: {  	[bflag:$0x3] =	sbarrier.arrive $0xFFFF  }
0x35e: {  	_ =	shalt  }

</sc_bundles>
